<compile_context>
chip_gen: v7x
topology: tpu7x:2x2x1
jax: 0.10.2.dev20260603
libtpu: 0.0.44.dev20260713+nightly
codegen_flags: <defaults>
</compile_context>

<pallas_src>
import functools

import jax
import jax.numpy as jnp
import numpy as np
from jax import lax
from jax.experimental import pallas as pl
from jax.experimental.pallas import tpu as pltpu
from jax.experimental.pallas import tpu_sc as plsc

N = 10000
D = 128
E = 320000
NC = 2
NS = 16
NW = NC * NS
B = 128
CH = 80
EPW = CH * B
EP = NW * EPW
PADE = EP - E
NR = 10240
STRIPE = NR // NS

_mesh = plsc.VectorSubcoreMesh(core_axis_name="c", subcore_axis_name="s")


_NCH = E // B
_HI = 24
_TAIL0 = 2496


def _sc_degree(dst2d, zrows, onesrows):

    @functools.partial(
        pl.kernel,
        out_type=jax.ShapeDtypeStruct((NC, NR, D), jnp.float32),
        mesh=_mesh,
        scratch_types=[
            pltpu.VMEM((80, B), jnp.int32),
            pltpu.VMEM((4, B), jnp.int32),
            pltpu.VMEM((B, D), jnp.float32),
            pltpu.VMEM_SHARED((NR, D), jnp.float32),
        ],
    )
    def k(dst2d_hbm, zeros_hbm, ones_hbm, out_hbm, idx_v, tail_v, ones_v,
          degw):
        cid = lax.axis_index("c")
        sid = lax.axis_index("s")
        wid = cid * NS + sid
        row0 = sid * STRIPE
        pltpu.sync_copy(zeros_hbm.at[pl.ds(row0, STRIPE)],
                        degw.at[pl.ds(row0, STRIPE)])
        nch = jnp.where(wid < _HI, 80, 72)
        base = jnp.where(wid < _HI, wid * 80,
                         _HI * 80 + (wid - _HI) * 72)
        off0 = jnp.where(wid < _HI, 0, 8)
        pltpu.sync_copy(dst2d_hbm.at[pl.ds(base - off0, 80)], idx_v)
        pltpu.sync_copy(dst2d_hbm.at[pl.ds(_TAIL0, 4)], tail_v)
        pltpu.sync_copy(ones_hbm, ones_v)
        plsc.subcore_barrier()

        def body(ch, carry):
            pltpu.sync_copy(ones_v, degw.at[idx_v.at[off0 + ch]], add=True)
            return carry

        lax.fori_loop(0, nch, body, 0)

        def tbody(t, carry):
            pltpu.sync_copy(ones_v, degw.at[tail_v.at[wid]], add=True)
            return carry

        lax.fori_loop(0, jnp.where(wid < 4, 1, 0), tbody, 0)
        plsc.subcore_barrier()
        pltpu.sync_copy(degw.at[pl.ds(row0, STRIPE)],
                        out_hbm.at[cid, pl.ds(row0, STRIPE)])

    return k(dst2d, zrows, onesrows)


def _sc_scatter(y, srcp, dstp, zrows):

    @functools.partial(
        pl.kernel,
        out_type=jax.ShapeDtypeStruct((NC, NR, D), jnp.float32),
        mesh=_mesh,
        scratch_types=[
            pltpu.VMEM((CH // 2, B), jnp.int32),
            pltpu.VMEM((CH // 2, B), jnp.int32),
            pltpu.VMEM((B, D), jnp.float32),
            pltpu.VMEM((B, D), jnp.float32),
            pltpu.VMEM_SHARED((NR, D), jnp.float32),
            pltpu.SemaphoreType.DMA,
            pltpu.SemaphoreType.DMA,
        ],
    )
    def k(y_hbm, srcp_hbm, dstp_hbm, z_hbm, out_hbm,
          sidx, didx, rows_a, rows_b, acc, sem_a, sem_b):
        cid = lax.axis_index("c")
        sid = lax.axis_index("s")
        wid = cid * NS + sid
        row0 = sid * STRIPE
        CH2 = CH // 2
        pltpu.sync_copy(z_hbm.at[pl.ds(row0, STRIPE)],
                        acc.at[pl.ds(row0, STRIPE)])
        plsc.subcore_barrier()

        for h in range(2):
            pltpu.sync_copy(srcp_hbm.at[wid, pl.ds(h * CH2, CH2)], sidx)
            pltpu.sync_copy(dstp_hbm.at[wid, pl.ds(h * CH2, CH2)], didx)
            pltpu.async_copy(y_hbm.at[sidx.at[0]], rows_a, sem_a)
            pltpu.async_copy(y_hbm.at[sidx.at[1]], rows_b, sem_b)

            def body(g, carry):
                ca = 2 * g
                pltpu.make_async_copy(y_hbm.at[sidx.at[ca]], rows_a,
                                      sem_a).wait()
                pltpu.sync_copy(rows_a, acc.at[didx.at[ca]], add=True)
                nxa = jnp.minimum(ca + 2, CH2 - 1)
                pltpu.async_copy(y_hbm.at[sidx.at[nxa]], rows_a, sem_a)
                pltpu.make_async_copy(y_hbm.at[sidx.at[ca + 1]], rows_b,
                                      sem_b).wait()
                pltpu.sync_copy(rows_b, acc.at[didx.at[ca + 1]], add=True)
                nxb = jnp.minimum(ca + 3, CH2 - 1)
                pltpu.async_copy(y_hbm.at[sidx.at[nxb]], rows_b, sem_b)
                return carry

            lax.fori_loop(0, CH2 // 2, body, 0)
            pltpu.make_async_copy(y_hbm.at[sidx.at[CH2 - 1]], rows_a,
                                  sem_a).wait()
            pltpu.make_async_copy(y_hbm.at[sidx.at[CH2 - 1]], rows_b,
                                  sem_b).wait()
        plsc.subcore_barrier()
        pltpu.sync_copy(acc.at[pl.ds(row0, STRIPE)],
                        out_hbm.at[cid, pl.ds(row0, STRIPE)])

    return k(y, srcp, dstp, zrows)


_R = 2000


def _tc_matmul(x, W1):

    def body(x_ref, w_ref, t_ref):
        t_ref[...] = jnp.dot(x_ref[...], w_ref[...],
                             preferred_element_type=jnp.float32)

    return pl.pallas_call(
        body,
        grid=(N // _R,),
        in_specs=[
            pl.BlockSpec((_R, D), lambda i: (i, 0)),
            pl.BlockSpec((D, D), lambda i: (0, 0)),
        ],
        out_specs=pl.BlockSpec((_R, D), lambda i: (i, 0)),
        out_shape=jax.ShapeDtypeStruct((N, D), jnp.float32),
    )(x, W1)


def _tc_scale(t1, degp):

    def body(t_ref, d0_ref, d1_ref, y_ref, dinv_ref):
        dinv = lax.rsqrt(1.0 + d0_ref[0, :, 0:1] + d1_ref[0, :, 0:1])
        y_ref[...] = t_ref[...] * dinv
        dinv_ref[...] = dinv

    return pl.pallas_call(
        body,
        grid=(N // _R,),
        in_specs=[
            pl.BlockSpec((_R, D), lambda i: (i, 0)),
            pl.BlockSpec((1, _R, D), lambda i: (0, i, 0)),
            pl.BlockSpec((1, _R, D), lambda i: (1, i, 0)),
        ],
        out_specs=[
            pl.BlockSpec((_R, D), lambda i: (i, 0)),
            pl.BlockSpec((_R, 1), lambda i: (i, 0)),
        ],
        out_shape=[
            jax.ShapeDtypeStruct((N, D), jnp.float32),
            jax.ShapeDtypeStruct((N, 1), jnp.float32),
        ],
    )(t1, degp, degp)


def _tc_layer2(acc, y1, dinv, b1, W2):

    def body(a0_ref, a1_ref, y1_ref, dinv_ref, b_ref, w_ref, y2_ref):
        dinv = dinv_ref[...]
        h = jnp.maximum(
            dinv * (a0_ref[0] + a1_ref[0] + y1_ref[...]) + b_ref[...],
            0.0)
        y2_ref[...] = jnp.dot(h, w_ref[...],
                              preferred_element_type=jnp.float32) * dinv

    return pl.pallas_call(
        body,
        grid=(N // _R,),
        in_specs=[
            pl.BlockSpec((1, _R, D), lambda i: (0, i, 0)),
            pl.BlockSpec((1, _R, D), lambda i: (1, i, 0)),
            pl.BlockSpec((_R, D), lambda i: (i, 0)),
            pl.BlockSpec((_R, 1), lambda i: (i, 0)),
            pl.BlockSpec((1, D), lambda i: (0, 0)),
            pl.BlockSpec((D, D), lambda i: (0, 0)),
        ],
        out_specs=pl.BlockSpec((_R, D), lambda i: (i, 0)),
        out_shape=jax.ShapeDtypeStruct((N, D), jnp.float32),
    )(acc, acc, y1, dinv, b1, W2)


def _tc_final(acc, y2, dinv, b2):

    def body(a0_ref, a1_ref, y2_ref, dinv_ref, b_ref, out_ref):
        out_ref[...] = jnp.maximum(
            dinv_ref[...] * (a0_ref[0] + a1_ref[0] + y2_ref[...])
            + b_ref[...], 0.0)

    return pl.pallas_call(
        body,
        grid=(N // _R,),
        in_specs=[
            pl.BlockSpec((1, _R, D), lambda i: (0, i, 0)),
            pl.BlockSpec((1, _R, D), lambda i: (1, i, 0)),
            pl.BlockSpec((_R, D), lambda i: (i, 0)),
            pl.BlockSpec((_R, 1), lambda i: (i, 0)),
            pl.BlockSpec((1, D), lambda i: (0, 0)),
        ],
        out_specs=pl.BlockSpec((_R, D), lambda i: (i, 0)),
        out_shape=jax.ShapeDtypeStruct((N, D), jnp.float32),
    )(acc, acc, y2, dinv, b2)


_PAD_SRC = np.asarray((np.arange(PADE) * 13) % N, np.int32)
_PAD_DST = np.asarray(N + np.arange(PADE) % (NR - N), np.int32)


def kernel(x, edge_index, W1, b1, W2, b2):
    src = edge_index[0].astype(jnp.int32)
    dst = edge_index[1].astype(jnp.int32)

    srcp = jnp.concatenate([src, jnp.asarray(_PAD_SRC)]).reshape(NW, CH, B)
    dstp = jnp.concatenate([dst, jnp.asarray(_PAD_DST)]).reshape(NW, CH, B)

    onesrows = jnp.ones((B, D), jnp.float32)
    zrows = jnp.zeros((NR, D), jnp.float32)

    degp = _sc_degree(dst.reshape(_NCH, B), zrows, onesrows)
    y1, dinv = _tc_scale(_tc_matmul(x, W1), degp)

    acc1 = _sc_scatter(y1, srcp, dstp, zrows)
    y2 = _tc_layer2(acc1, y1, dinv, b1.reshape(1, D), W2)

    acc2 = _sc_scatter(y2, srcp, dstp, zrows)
    return _tc_final(acc2, y2, dinv, b2.reshape(1, D))

# --- scband reference (transcript-rebuilt; emitter-appended) ---
"""Pipeline reference for scband-gcn-33741263078295 (READ-ONLY COPY).

The authoritative reference and input builder live on the scoring server;
editing this copy changes nothing except your own understanding.
"""

import jax, jax.numpy as jnp
import numpy as np

N_NODES = 10000
D_IN = 128
D_HID = 128
N_EDGES = 320000


def setup_inputs(seed: int = 0) -> dict:
    key = jax.random.key(seed)
    ks = jax.random.split(key, 8)
    x = jax.random.normal(ks[0], (N_NODES, D_IN), dtype=jnp.float32)
    edge_index = jax.random.randint(ks[1], (2, N_EDGES), 0, N_NODES, dtype=jnp.int64 if jax.config.jax_enable_x64 else jnp.int32).astype(jnp.int32)
    # Glorot-ish init for GCNConv weights (PyG default: glorot for weight, zeros for bias)
    s1 = (6.0 / (D_IN + D_HID)) ** 0.5
    W1 = jax.random.uniform(ks[2], (D_IN, D_HID), dtype=jnp.float32, minval=-s1, maxval=s1)
    b1 = jnp.zeros((D_HID,), dtype=jnp.float32)
    s2 = (6.0 / (D_HID + D_HID)) ** 0.5
    W2 = jax.random.uniform(ks[3], (D_HID, D_HID), dtype=jnp.float32, minval=-s2, maxval=s2)
    b2 = jnp.zeros((D_HID,), dtype=jnp.float32)
    return {"x": x, "edge_index": edge_index, "W1": W1, "b1": b1, "W2": W2, "b2": b2}


def _gcn_conv(x, edge_index, W, b):
    # Faithful PyG GCNConv: add self-loops, symmetric normalization, sum aggregation, bias.
    num_nodes = x.shape[0]
    loop = jnp.arange(num_nodes, dtype=edge_index.dtype)
    src = jnp.concatenate([edge_index[0], loop])
    dst = jnp.concatenate([edge_index[1], loop])
    deg = jnp.zeros((num_nodes,), dtype=x.dtype).at[dst].add(1.0)
    deg_inv_sqrt = jnp.where(deg > 0, jax.lax.rsqrt(jnp.maximum(deg, 1e-12)), 0.0)
    norm = deg_inv_sqrt[src] * deg_inv_sqrt[dst]
    xw = x @ W
    msg = jnp.take(xw, src, axis=0) * norm[:, None]
    out = jnp.zeros((num_nodes, W.shape[1]), dtype=x.dtype).at[dst].add(msg)
    return out + b


def reference(x, edge_index, W1, b1, W2, b2):
    # Layer 1
    h = _gcn_conv(x, edge_index, W1, b1)
    h = jax.nn.relu(h)
    # dropout is a no-op in inference (F.dropout with training=False)
    # Layer 2
    h = _gcn_conv(h, edge_index, W2, b2)
    h = jax.nn.relu(h)
    return h

if __name__ == "__main__":
    import jax
    _d = setup_inputs()
    print(jax.jit(kernel)(*tuple(_d.values())))

</pallas_src>

<mosaic_0001>
#map = affine_map<(d0, d1) -> (0, 0)>
#map1 = affine_map<(d0, d1) -> (0, 0, 0)>
module attributes {stable_mosaic.version = 14 : i64} {
  func.func @k(%arg0: i32, %arg1: i32, %arg2: memref<2500x128xi32, #tpu.memory_space<hbm>>, %arg3: memref<10240x128xf32, #tpu.memory_space<hbm>>, %arg4: memref<128x128xf32, #tpu.memory_space<hbm>>, %arg5: memref<2x10240x128xf32, #tpu.memory_space<hbm>>, %arg6: memref<80x128xi32, #tpu.memory_space<vmem>>, %arg7: memref<4x128xi32, #tpu.memory_space<vmem>>, %arg8: memref<128x128xf32, #tpu.memory_space<vmem>>, %arg9: memref<10240x128xf32, #tpu.memory_space<vmem_shared>>) attributes {dimension_semantics = [#tpu.dimension_semantics<core_parallel>, #tpu.dimension_semantics<subcore_parallel>], iteration_bounds = array<i64: 2, 16>, scalar_prefetch = 0 : i64, scratch_operands = 4 : i64, tpu.core_type = #tpu.core_type<sc_vector_subcore>, window_params = [{transform_indices = #map}, {transform_indices = #map}, {transform_indices = #map}, {transform_indices = #map1}]} {
    %mul3A = arith.constant 16 : i32
    %mul3A_0 = arith.muli %arg0, %mul3A : i32
    %add3A = arith.addi %mul3A_0, %arg1 : i32
    %mul3A_1 = arith.constant 640 : i32
    %mul3A_2 = arith.muli %arg1, %mul3A_1 : i32
    "tpu.region"() ({
      %run_scoped3A = tpu.sem_alloc : memref<!tpu.dma_semaphore, #tpu.memory_space<semaphore_mem>>
      %dma_start3A = arith.constant 0 : i32
      %dma_start3A_46 = tpu.memref_slice %arg9[%mul3A_2, %dma_start3A] : memref<10240x128xf32, #tpu.memory_space<vmem_shared>> -> memref<640x128xf32, #tpu.memory_space<vmem_shared>>
      %dma_start3A_47 = arith.constant 0 : i32
      %dma_start3A_48 = tpu.memref_slice %arg3[%mul3A_2, %dma_start3A_47] : memref<10240x128xf32, #tpu.memory_space<hbm>> -> memref<640x128xf32, #tpu.memory_space<hbm>>
      tpu.enqueue_dma source(%dma_start3A_48 : memref<640x128xf32, #tpu.memory_space<hbm>>) target(%dma_start3A_46 : memref<640x128xf32, #tpu.memory_space<vmem_shared>>) target_semaphore(%run_scoped3A : memref<!tpu.dma_semaphore, #tpu.memory_space<semaphore_mem>>)
      %dma_wait3A = arith.constant 0 : i32
      %dma_wait3A_49 = tpu.memref_slice %arg9[%mul3A_2, %dma_wait3A] : memref<10240x128xf32, #tpu.memory_space<vmem_shared>> -> memref<640x128xf32, #tpu.memory_space<vmem_shared>>
      %dma_wait3A_50 = arith.constant 0 : i32
      %dma_wait3A_51 = tpu.memref_slice %arg3[%mul3A_2, %dma_wait3A_50] : memref<10240x128xf32, #tpu.memory_space<hbm>> -> memref<640x128xf32, #tpu.memory_space<hbm>>
      tpu.wait_dma2 semaphore(%run_scoped3A : memref<!tpu.dma_semaphore, #tpu.memory_space<semaphore_mem>>) src(%dma_wait3A_51 : memref<640x128xf32, #tpu.memory_space<hbm>>) dst(%dma_wait3A_49 : memref<640x128xf32, #tpu.memory_space<vmem_shared>>)
      tpu.yield
    }) : () -> ()
    %lt3A = arith.constant 24 : i32
    %lt3A_3 = arith.cmpi slt, %add3A, %lt3A : i32
    %jit3A = arith.constant 80 : i32
    %jit3A_4 = arith.constant 72 : i32
    %select_n3A = arith.select %lt3A_3, %jit3A, %jit3A_4 : i32
    %lt3A_5 = arith.constant 24 : i32
    %lt3A_6 = arith.cmpi slt, %add3A, %lt3A_5 : i32
    %mul3A_7 = arith.constant 80 : i32
    %mul3A_8 = arith.muli %add3A, %mul3A_7 : i32
    %sub3A = arith.constant 24 : i32
    %sub3A_9 = arith.subi %add3A, %sub3A : i32
    %mul3A_10 = arith.constant 72 : i32
    %mul3A_11 = arith.muli %sub3A_9, %mul3A_10 : i32
    %add3A_12 = arith.constant 1920 : i32
    %add3A_13 = arith.addi %add3A_12, %mul3A_11 : i32
    %select_n3A_14 = arith.select %lt3A_6, %mul3A_8, %add3A_13 : i32
    %lt3A_15 = arith.constant 24 : i32
    %lt3A_16 = arith.cmpi slt, %add3A, %lt3A_15 : i32
    %jit3A_17 = arith.constant 0 : i32
    %jit3A_18 = arith.constant 8 : i32
    %select_n3A_19 = arith.select %lt3A_16, %jit3A_17, %jit3A_18 : i32
    %sub3A_20 = arith.subi %select_n3A_14, %select_n3A_19 : i32
    "tpu.region"() ({
      %run_scoped3A = tpu.sem_alloc : memref<!tpu.dma_semaphore, #tpu.memory_space<semaphore_mem>>
      %dma_start3A = arith.constant 0 : i32
      %dma_start3A_46 = tpu.memref_slice %arg2[%sub3A_20, %dma_start3A] : memref<2500x128xi32, #tpu.memory_space<hbm>> -> memref<80x128xi32, #tpu.memory_space<hbm>>
      %dma_start3A_47 = arith.constant 0 : i32
      %dma_start3A_48 = tpu.memref_slice %arg2[%sub3A_20, %dma_start3A_47] : memref<2500x128xi32, #tpu.memory_space<hbm>> -> memref<80x128xi32, #tpu.memory_space<hbm>>
      tpu.enqueue_dma source(%dma_start3A_48 : memref<80x128xi32, #tpu.memory_space<hbm>>) target(%arg6 : memref<80x128xi32, #tpu.memory_space<vmem>>) target_semaphore(%run_scoped3A : memref<!tpu.dma_semaphore, #tpu.memory_space<semaphore_mem>>)
      %dma_wait3A = arith.constant 0 : i32
      %dma_wait3A_49 = tpu.memref_slice %arg2[%sub3A_20, %dma_wait3A] : memref<2500x128xi32, #tpu.memory_space<hbm>> -> memref<80x128xi32, #tpu.memory_space<hbm>>
      %dma_wait3A_50 = arith.constant 0 : i32
      %dma_wait3A_51 = tpu.memref_slice %arg2[%sub3A_20, %dma_wait3A_50] : memref<2500x128xi32, #tpu.memory_space<hbm>> -> memref<80x128xi32, #tpu.memory_space<hbm>>
      tpu.wait_dma2 semaphore(%run_scoped3A : memref<!tpu.dma_semaphore, #tpu.memory_space<semaphore_mem>>) src(%dma_wait3A_51 : memref<80x128xi32, #tpu.memory_space<hbm>>) dst(%arg6 : memref<80x128xi32, #tpu.memory_space<vmem>>)
      tpu.yield
    }) : () -> ()
    "tpu.region"() ({
      %run_scoped3A = tpu.sem_alloc : memref<!tpu.dma_semaphore, #tpu.memory_space<semaphore_mem>>
      %dma_start3A = arith.constant 2496 : i32
      %dma_start3A_46 = arith.constant 0 : i32
      %dma_start3A_47 = tpu.memref_slice %arg2[%dma_start3A, %dma_start3A_46] : memref<2500x128xi32, #tpu.memory_space<hbm>> -> memref<4x128xi32, #tpu.memory_space<hbm>>
      %dma_start3A_48 = arith.constant 2496 : i32
      %dma_start3A_49 = arith.constant 0 : i32
      %dma_start3A_50 = tpu.memref_slice %arg2[%dma_start3A_48, %dma_start3A_49] : memref<2500x128xi32, #tpu.memory_space<hbm>> -> memref<4x128xi32, #tpu.memory_space<hbm>>
      tpu.enqueue_dma source(%dma_start3A_50 : memref<4x128xi32, #tpu.memory_space<hbm>>) target(%arg7 : memref<4x128xi32, #tpu.memory_space<vmem>>) target_semaphore(%run_scoped3A : memref<!tpu.dma_semaphore, #tpu.memory_space<semaphore_mem>>)
      %dma_wait3A = arith.constant 2496 : i32
      %dma_wait3A_51 = arith.constant 0 : i32
      %dma_wait3A_52 = tpu.memref_slice %arg2[%dma_wait3A, %dma_wait3A_51] : memref<2500x128xi32, #tpu.memory_space<hbm>> -> memref<4x128xi32, #tpu.memory_space<hbm>>
      %dma_wait3A_53 = arith.constant 2496 : i32
      %dma_wait3A_54 = arith.constant 0 : i32
      %dma_wait3A_55 = tpu.memref_slice %arg2[%dma_wait3A_53, %dma_wait3A_54] : memref<2500x128xi32, #tpu.memory_space<hbm>> -> memref<4x128xi32, #tpu.memory_space<hbm>>
      tpu.wait_dma2 semaphore(%run_scoped3A : memref<!tpu.dma_semaphore, #tpu.memory_space<semaphore_mem>>) src(%dma_wait3A_55 : memref<4x128xi32, #tpu.memory_space<hbm>>) dst(%arg7 : memref<4x128xi32, #tpu.memory_space<vmem>>)
      tpu.yield
    }) : () -> ()
    "tpu.region"() ({
      %run_scoped3A = tpu.sem_alloc : memref<!tpu.dma_semaphore, #tpu.memory_space<semaphore_mem>>
      tpu.enqueue_dma source(%arg4 : memref<128x128xf32, #tpu.memory_space<hbm>>) target(%arg8 : memref<128x128xf32, #tpu.memory_space<vmem>>) target_semaphore(%run_scoped3A : memref<!tpu.dma_semaphore, #tpu.memory_space<semaphore_mem>>)
      tpu.wait_dma2 semaphore(%run_scoped3A : memref<!tpu.dma_semaphore, #tpu.memory_space<semaphore_mem>>) src(%arg4 : memref<128x128xf32, #tpu.memory_space<hbm>>) dst(%arg8 : memref<128x128xf32, #tpu.memory_space<vmem>>)
      tpu.yield
    }) : () -> ()
    %barrier3A = arith.constant 0 : index
    tpu.barrier barrier_id(%barrier3A)
    %while3A = arith.constant 0 : i32
    %while3A_21 = arith.constant 0 : i32
    %while3A_22 = arith.subi %select_n3A, %while3A_21 : i32
    %while3A_23 = arith.addi %while3A_21, %while3A_22 : i32
    %while3A_24 = arith.constant 1 : i32
    %while3A_25 = arith.divsi %while3A_22, %while3A_24 : i32
    %while3A_26 = arith.muli %while3A_25, %while3A_24 : i32
    %while3A_27 = arith.addi %while3A_21, %while3A_26 : i32
    %while3A_28 = arith.constant 1 : i32
    scf.for %while3A_46 = %while3A_21 to %while3A_27 step %while3A_28  : i32 {
      %add3A_47 = arith.addi %select_n3A_19, %while3A_46 : i32
      "tpu.region"() ({
        %run_scoped3A = tpu.sem_alloc : memref<!tpu.dma_semaphore, #tpu.memory_space<semaphore_mem>>
        %dma_start3A = arith.constant 0 : i32
        %dma_start3A_48 = tpu.memref_slice %arg6[%add3A_47, %dma_start3A] : memref<80x128xi32, #tpu.memory_space<vmem>> -> memref<1x128xi32, #tpu.memory_space<vmem>>
        %dma_start3A_49 = tpu.memref_squeeze %dma_start3A_48 : memref<1x128xi32, #tpu.memory_space<vmem>> -> memref<128xi32, #tpu.memory_space<vmem>>
        %dma_start3A_50 = arith.constant 0 : i32
        %dma_start3A_51 = arith.constant 0 : i32
        %dma_start3A_52 = tpu.memref_slice %arg9[%dma_start3A_50, %dma_start3A_51] : memref<10240x128xf32, #tpu.memory_space<vmem_shared>> -> memref<10240x128xf32, #tpu.memory_space<vmem_shared>>
        tpu.enqueue_indirect_dma source(%arg8 : memref<128x128xf32, #tpu.memory_space<vmem>>) target(%dma_start3A_52 : memref<10240x128xf32, #tpu.memory_space<vmem_shared>>) offsets(%dma_start3A_49 : memref<128xi32, #tpu.memory_space<vmem>>) semaphore(%run_scoped3A : memref<!tpu.dma_semaphore, #tpu.memory_space<semaphore_mem>>) {add = true}
        %dma_wait3A = arith.constant 0 : i32
        %dma_wait3A_53 = tpu.memref_slice %arg6[%add3A_47, %dma_wait3A] : memref<80x128xi32, #tpu.memory_space<vmem>> -> memref<1x128xi32, #tpu.memory_space<vmem>>
        %dma_wait3A_54 = tpu.memref_squeeze %dma_wait3A_53 : memref<1x128xi32, #tpu.memory_space<vmem>> -> memref<128xi32, #tpu.memory_space<vmem>>
        %dma_wait3A_55 = arith.constant 0 : i32
        %dma_wait3A_56 = arith.constant 0 : i32
        %dma_wait3A_57 = tpu.memref_slice %arg9[%dma_wait3A_55, %dma_wait3A_56] : memref<10240x128xf32, #tpu.memory_space<vmem_shared>> -> memref<10240x128xf32, #tpu.memory_space<vmem_shared>>
        tpu.wait_indirect_dma semaphore(%run_scoped3A : memref<!tpu.dma_semaphore, #tpu.memory_space<semaphore_mem>>) src(%arg8 : memref<128x128xf32, #tpu.memory_space<vmem>>) dst(%dma_wait3A_57 : memref<10240x128xf32, #tpu.memory_space<vmem_shared>>)
        tpu.yield
      }) : () -> ()
    }
    %while3A_29 = arith.constant 1 : i32
    scf.for %while3A_46 = %while3A_27 to %while3A_23 step %while3A_29  : i32 {
      %add3A_47 = arith.addi %select_n3A_19, %while3A_46 : i32
      "tpu.region"() ({
        %run_scoped3A = tpu.sem_alloc : memref<!tpu.dma_semaphore, #tpu.memory_space<semaphore_mem>>
        %dma_start3A = arith.constant 0 : i32
        %dma_start3A_48 = tpu.memref_slice %arg6[%add3A_47, %dma_start3A] : memref<80x128xi32, #tpu.memory_space<vmem>> -> memref<1x128xi32, #tpu.memory_space<vmem>>
        %dma_start3A_49 = tpu.memref_squeeze %dma_start3A_48 : memref<1x128xi32, #tpu.memory_space<vmem>> -> memref<128xi32, #tpu.memory_space<vmem>>
        %dma_start3A_50 = arith.constant 0 : i32
        %dma_start3A_51 = arith.constant 0 : i32
        %dma_start3A_52 = tpu.memref_slice %arg9[%dma_start3A_50, %dma_start3A_51] : memref<10240x128xf32, #tpu.memory_space<vmem_shared>> -> memref<10240x128xf32, #tpu.memory_space<vmem_shared>>
        tpu.enqueue_indirect_dma source(%arg8 : memref<128x128xf32, #tpu.memory_space<vmem>>) target(%dma_start3A_52 : memref<10240x128xf32, #tpu.memory_space<vmem_shared>>) offsets(%dma_start3A_49 : memref<128xi32, #tpu.memory_space<vmem>>) semaphore(%run_scoped3A : memref<!tpu.dma_semaphore, #tpu.memory_space<semaphore_mem>>) {add = true}
        %dma_wait3A = arith.constant 0 : i32
        %dma_wait3A_53 = tpu.memref_slice %arg6[%add3A_47, %dma_wait3A] : memref<80x128xi32, #tpu.memory_space<vmem>> -> memref<1x128xi32, #tpu.memory_space<vmem>>
        %dma_wait3A_54 = tpu.memref_squeeze %dma_wait3A_53 : memref<1x128xi32, #tpu.memory_space<vmem>> -> memref<128xi32, #tpu.memory_space<vmem>>
        %dma_wait3A_55 = arith.constant 0 : i32
        %dma_wait3A_56 = arith.constant 0 : i32
        %dma_wait3A_57 = tpu.memref_slice %arg9[%dma_wait3A_55, %dma_wait3A_56] : memref<10240x128xf32, #tpu.memory_space<vmem_shared>> -> memref<10240x128xf32, #tpu.memory_space<vmem_shared>>
        tpu.wait_indirect_dma semaphore(%run_scoped3A : memref<!tpu.dma_semaphore, #tpu.memory_space<semaphore_mem>>) src(%arg8 : memref<128x128xf32, #tpu.memory_space<vmem>>) dst(%dma_wait3A_57 : memref<10240x128xf32, #tpu.memory_space<vmem_shared>>)
        tpu.yield
      }) : () -> ()
    }
    %lt3A_30 = arith.constant 4 : i32
    %lt3A_31 = arith.cmpi slt, %add3A, %lt3A_30 : i32
    %jit3A_32 = arith.constant 1 : i32
    %jit3A_33 = arith.constant 0 : i32
    %select_n3A_34 = arith.select %lt3A_31, %jit3A_32, %jit3A_33 : i32
    %while3A_35 = arith.constant 0 : i32
    %while3A_36 = arith.constant 0 : i32
    %while3A_37 = arith.subi %select_n3A_34, %while3A_36 : i32
    %while3A_38 = arith.addi %while3A_36, %while3A_37 : i32
    %while3A_39 = arith.constant 1 : i32
    %while3A_40 = arith.divsi %while3A_37, %while3A_39 : i32
    %while3A_41 = arith.muli %while3A_40, %while3A_39 : i32
    %while3A_42 = arith.addi %while3A_36, %while3A_41 : i32
    %while3A_43 = arith.constant 1 : i32
    scf.for %while3A_46 = %while3A_36 to %while3A_42 step %while3A_43  : i32 {
      "tpu.region"() ({
        %run_scoped3A = tpu.sem_alloc : memref<!tpu.dma_semaphore, #tpu.memory_space<semaphore_mem>>
        %dma_start3A = arith.constant 0 : i32
        %dma_start3A_47 = tpu.memref_slice %arg7[%add3A, %dma_start3A] : memref<4x128xi32, #tpu.memory_space<vmem>> -> memref<1x128xi32, #tpu.memory_space<vmem>>
        %dma_start3A_48 = tpu.memref_squeeze %dma_start3A_47 : memref<1x128xi32, #tpu.memory_space<vmem>> -> memref<128xi32, #tpu.memory_space<vmem>>
        %dma_start3A_49 = arith.constant 0 : i32
        %dma_start3A_50 = arith.constant 0 : i32
        %dma_start3A_51 = tpu.memref_slice %arg9[%dma_start3A_49, %dma_start3A_50] : memref<10240x128xf32, #tpu.memory_space<vmem_shared>> -> memref<10240x128xf32, #tpu.memory_space<vmem_shared>>
        tpu.enqueue_indirect_dma source(%arg8 : memref<128x128xf32, #tpu.memory_space<vmem>>) target(%dma_start3A_51 : memref<10240x128xf32, #tpu.memory_space<vmem_shared>>) offsets(%dma_start3A_48 : memref<128xi32, #tpu.memory_space<vmem>>) semaphore(%run_scoped3A : memref<!tpu.dma_semaphore, #tpu.memory_space<semaphore_mem>>) {add = true}
        %dma_wait3A = arith.constant 0 : i32
        %dma_wait3A_52 = tpu.memref_slice %arg7[%add3A, %dma_wait3A] : memref<4x128xi32, #tpu.memory_space<vmem>> -> memref<1x128xi32, #tpu.memory_space<vmem>>
        %dma_wait3A_53 = tpu.memref_squeeze %dma_wait3A_52 : memref<1x128xi32, #tpu.memory_space<vmem>> -> memref<128xi32, #tpu.memory_space<vmem>>
        %dma_wait3A_54 = arith.constant 0 : i32
        %dma_wait3A_55 = arith.constant 0 : i32
        %dma_wait3A_56 = tpu.memref_slice %arg9[%dma_wait3A_54, %dma_wait3A_55] : memref<10240x128xf32, #tpu.memory_space<vmem_shared>> -> memref<10240x128xf32, #tpu.memory_space<vmem_shared>>
        tpu.wait_indirect_dma semaphore(%run_scoped3A : memref<!tpu.dma_semaphore, #tpu.memory_space<semaphore_mem>>) src(%arg8 : memref<128x128xf32, #tpu.memory_space<vmem>>) dst(%dma_wait3A_56 : memref<10240x128xf32, #tpu.memory_space<vmem_shared>>)
        tpu.yield
      }) : () -> ()
    }
    %while3A_44 = arith.constant 1 : i32
    scf.for %while3A_46 = %while3A_42 to %while3A_38 step %while3A_44  : i32 {
      "tpu.region"() ({
        %run_scoped3A = tpu.sem_alloc : memref<!tpu.dma_semaphore, #tpu.memory_space<semaphore_mem>>
        %dma_start3A = arith.constant 0 : i32
        %dma_start3A_47 = tpu.memref_slice %arg7[%add3A, %dma_start3A] : memref<4x128xi32, #tpu.memory_space<vmem>> -> memref<1x128xi32, #tpu.memory_space<vmem>>
        %dma_start3A_48 = tpu.memref_squeeze %dma_start3A_47 : memref<1x128xi32, #tpu.memory_space<vmem>> -> memref<128xi32, #tpu.memory_space<vmem>>
        %dma_start3A_49 = arith.constant 0 : i32
        %dma_start3A_50 = arith.constant 0 : i32
        %dma_start3A_51 = tpu.memref_slice %arg9[%dma_start3A_49, %dma_start3A_50] : memref<10240x128xf32, #tpu.memory_space<vmem_shared>> -> memref<10240x128xf32, #tpu.memory_space<vmem_shared>>
        tpu.enqueue_indirect_dma source(%arg8 : memref<128x128xf32, #tpu.memory_space<vmem>>) target(%dma_start3A_51 : memref<10240x128xf32, #tpu.memory_space<vmem_shared>>) offsets(%dma_start3A_48 : memref<128xi32, #tpu.memory_space<vmem>>) semaphore(%run_scoped3A : memref<!tpu.dma_semaphore, #tpu.memory_space<semaphore_mem>>) {add = true}
        %dma_wait3A = arith.constant 0 : i32
        %dma_wait3A_52 = tpu.memref_slice %arg7[%add3A, %dma_wait3A] : memref<4x128xi32, #tpu.memory_space<vmem>> -> memref<1x128xi32, #tpu.memory_space<vmem>>
        %dma_wait3A_53 = tpu.memref_squeeze %dma_wait3A_52 : memref<1x128xi32, #tpu.memory_space<vmem>> -> memref<128xi32, #tpu.memory_space<vmem>>
        %dma_wait3A_54 = arith.constant 0 : i32
        %dma_wait3A_55 = arith.constant 0 : i32
        %dma_wait3A_56 = tpu.memref_slice %arg9[%dma_wait3A_54, %dma_wait3A_55] : memref<10240x128xf32, #tpu.memory_space<vmem_shared>> -> memref<10240x128xf32, #tpu.memory_space<vmem_shared>>
        tpu.wait_indirect_dma semaphore(%run_scoped3A : memref<!tpu.dma_semaphore, #tpu.memory_space<semaphore_mem>>) src(%arg8 : memref<128x128xf32, #tpu.memory_space<vmem>>) dst(%dma_wait3A_56 : memref<10240x128xf32, #tpu.memory_space<vmem_shared>>)
        tpu.yield
      }) : () -> ()
    }
    %barrier3A_45 = arith.constant 0 : index
    tpu.barrier barrier_id(%barrier3A_45)
    "tpu.region"() ({
      %run_scoped3A = tpu.sem_alloc : memref<!tpu.dma_semaphore, #tpu.memory_space<semaphore_mem>>
      %dma_start3A = arith.constant 0 : i32
      %dma_start3A_46 = tpu.memref_slice %arg5[%arg0, %mul3A_2, %dma_start3A] : memref<2x10240x128xf32, #tpu.memory_space<hbm>> -> memref<1x640x128xf32, #tpu.memory_space<hbm>>
      %dma_start3A_47 = tpu.memref_squeeze %dma_start3A_46 : memref<1x640x128xf32, #tpu.memory_space<hbm>> -> memref<640x128xf32, #tpu.memory_space<hbm>>
      %dma_start3A_48 = arith.constant 0 : i32
      %dma_start3A_49 = tpu.memref_slice %arg9[%mul3A_2, %dma_start3A_48] : memref<10240x128xf32, #tpu.memory_space<vmem_shared>> -> memref<640x128xf32, #tpu.memory_space<vmem_shared>>
      tpu.enqueue_dma source(%dma_start3A_49 : memref<640x128xf32, #tpu.memory_space<vmem_shared>>) target(%dma_start3A_47 : memref<640x128xf32, #tpu.memory_space<hbm>>) target_semaphore(%run_scoped3A : memref<!tpu.dma_semaphore, #tpu.memory_space<semaphore_mem>>)
      %dma_wait3A = arith.constant 0 : i32
      %dma_wait3A_50 = tpu.memref_slice %arg5[%arg0, %mul3A_2, %dma_wait3A] : memref<2x10240x128xf32, #tpu.memory_space<hbm>> -> memref<1x640x128xf32, #tpu.memory_space<hbm>>
      %dma_wait3A_51 = tpu.memref_squeeze %dma_wait3A_50 : memref<1x640x128xf32, #tpu.memory_space<hbm>> -> memref<640x128xf32, #tpu.memory_space<hbm>>
      %dma_wait3A_52 = arith.constant 0 : i32
      %dma_wait3A_53 = tpu.memref_slice %arg9[%mul3A_2, %dma_wait3A_52] : memref<10240x128xf32, #tpu.memory_space<vmem_shared>> -> memref<640x128xf32, #tpu.memory_space<vmem_shared>>
      tpu.wait_dma2 semaphore(%run_scoped3A : memref<!tpu.dma_semaphore, #tpu.memory_space<semaphore_mem>>) src(%dma_wait3A_53 : memref<640x128xf32, #tpu.memory_space<vmem_shared>>) dst(%dma_wait3A_51 : memref<640x128xf32, #tpu.memory_space<hbm>>)
      tpu.yield
    }) : () -> ()
    return
  }
}

#map = affine_map<(d0, d1) -> (0, 0)>
#map1 = affine_map<(d0, d1) -> (0, 0, 0)>
module attributes {stable_mosaic.version = 14 : i64} {
  func.func @k(%arg0: i32, %arg1: i32, %arg2: memref<10000x128xf32, #tpu.memory_space<hbm>>, %arg3: memref<32x80x128xi32, #tpu.memory_space<hbm>>, %arg4: memref<32x80x128xi32, #tpu.memory_space<hbm>>, %arg5: memref<10240x128xf32, #tpu.memory_space<hbm>>, %arg6: memref<2x10240x128xf32, #tpu.memory_space<hbm>>, %arg7: memref<40x128xi32, #tpu.memory_space<vmem>>, %arg8: memref<40x128xi32, #tpu.memory_space<vmem>>, %arg9: memref<128x128xf32, #tpu.memory_space<vmem>>, %arg10: memref<128x128xf32, #tpu.memory_space<vmem>>, %arg11: memref<10240x128xf32, #tpu.memory_space<vmem_shared>>, %arg12: memref<!tpu.dma_semaphore, #tpu.memory_space<semaphore_mem>>, %arg13: memref<!tpu.dma_semaphore, #tpu.memory_space<semaphore_mem>>) attributes {dimension_semantics = [#tpu.dimension_semantics<core_parallel>, #tpu.dimension_semantics<subcore_parallel>], iteration_bounds = array<i64: 2, 16>, scalar_prefetch = 0 : i64, scratch_operands = 7 : i64, tpu.core_type = #tpu.core_type<sc_vector_subcore>, window_params = [{transform_indices = #map}, {transform_indices = #map1}, {transform_indices = #map1}, {transform_indices = #map}, {transform_indices = #map1}]} {
    %mul3A = arith.constant 16 : i32
    %mul3A_0 = arith.muli %arg0, %mul3A : i32
    %add3A = arith.addi %mul3A_0, %arg1 : i32
    %mul3A_1 = arith.constant 640 : i32
    %mul3A_2 = arith.muli %arg1, %mul3A_1 : i32
    "tpu.region"() ({
      %run_scoped3A = tpu.sem_alloc : memref<!tpu.dma_semaphore, #tpu.memory_space<semaphore_mem>>
      %dma_start3A_69 = arith.constant 0 : i32
      %dma_start3A_70 = tpu.memref_slice %arg11[%mul3A_2, %dma_start3A_69] : memref<10240x128xf32, #tpu.memory_space<vmem_shared>> -> memref<640x128xf32, #tpu.memory_space<vmem_shared>>
      %dma_start3A_71 = arith.constant 0 : i32
      %dma_start3A_72 = tpu.memref_slice %arg5[%mul3A_2, %dma_start3A_71] : memref<10240x128xf32, #tpu.memory_space<hbm>> -> memref<640x128xf32, #tpu.memory_space<hbm>>
      tpu.enqueue_dma source(%dma_start3A_72 : memref<640x128xf32, #tpu.memory_space<hbm>>) target(%dma_start3A_70 : memref<640x128xf32, #tpu.memory_space<vmem_shared>>) target_semaphore(%run_scoped3A : memref<!tpu.dma_semaphore, #tpu.memory_space<semaphore_mem>>)
      %dma_wait3A_73 = arith.constant 0 : i32
      %dma_wait3A_74 = tpu.memref_slice %arg11[%mul3A_2, %dma_wait3A_73] : memref<10240x128xf32, #tpu.memory_space<vmem_shared>> -> memref<640x128xf32, #tpu.memory_space<vmem_shared>>
      %dma_wait3A_75 = arith.constant 0 : i32
      %dma_wait3A_76 = tpu.memref_slice %arg5[%mul3A_2, %dma_wait3A_75] : memref<10240x128xf32, #tpu.memory_space<hbm>> -> memref<640x128xf32, #tpu.memory_space<hbm>>
      tpu.wait_dma2 semaphore(%run_scoped3A : memref<!tpu.dma_semaphore, #tpu.memory_space<semaphore_mem>>) src(%dma_wait3A_76 : memref<640x128xf32, #tpu.memory_space<hbm>>) dst(%dma_wait3A_74 : memref<640x128xf32, #tpu.memory_space<vmem_shared>>)
      tpu.yield
    }) : () -> ()
    %barrier3A = arith.constant 0 : index
    tpu.barrier barrier_id(%barrier3A)
    "tpu.region"() ({
      %run_scoped3A = tpu.sem_alloc : memref<!tpu.dma_semaphore, #tpu.memory_space<semaphore_mem>>
      %dma_start3A_69 = arith.constant 0 : i32
      %dma_start3A_70 = arith.constant 0 : i32
      %dma_start3A_71 = tpu.memref_slice %arg3[%add3A, %dma_start3A_69, %dma_start3A_70] : memref<32x80x128xi32, #tpu.memory_space<hbm>> -> memref<1x40x128xi32, #tpu.memory_space<hbm>>
      %dma_start3A_72 = tpu.memref_squeeze %dma_start3A_71 : memref<1x40x128xi32, #tpu.memory_space<hbm>> -> memref<40x128xi32, #tpu.memory_space<hbm>>
      %dma_start3A_73 = arith.constant 0 : i32
      %dma_start3A_74 = arith.constant 0 : i32
      %dma_start3A_75 = tpu.memref_slice %arg3[%add3A, %dma_start3A_73, %dma_start3A_74] : memref<32x80x128xi32, #tpu.memory_space<hbm>> -> memref<1x40x128xi32, #tpu.memory_space<hbm>>
      %dma_start3A_76 = tpu.memref_squeeze %dma_start3A_75 : memref<1x40x128xi32, #tpu.memory_space<hbm>> -> memref<40x128xi32, #tpu.memory_space<hbm>>
      tpu.enqueue_dma source(%dma_start3A_76 : memref<40x128xi32, #tpu.memory_space<hbm>>) target(%arg7 : memref<40x128xi32, #tpu.memory_space<vmem>>) target_semaphore(%run_scoped3A : memref<!tpu.dma_semaphore, #tpu.memory_space<semaphore_mem>>)
      %dma_wait3A_77 = arith.constant 0 : i32
      %dma_wait3A_78 = arith.constant 0 : i32
      %dma_wait3A_79 = tpu.memref_slice %arg3[%add3A, %dma_wait3A_77, %dma_wait3A_78] : memref<32x80x128xi32, #tpu.memory_space<hbm>> -> memref<1x40x128xi32, #tpu.memory_space<hbm>>
      %dma_wait3A_80 = tpu.memref_squeeze %dma_wait3A_79 : memref<1x40x128xi32, #tpu.memory_space<hbm>> -> memref<40x128xi32, #tpu.memory_space<hbm>>
      %dma_wait3A_81 = arith.constant 0 : i32
      %dma_wait3A_82 = arith.constant 0 : i32
      %dma_wait3A_83 = tpu.memref_slice %arg3[%add3A, %dma_wait3A_81, %dma_wait3A_82] : memref<32x80x128xi32, #tpu.memory_space<hbm>> -> memref<1x40x128xi32, #tpu.memory_space<hbm>>
      %dma_wait3A_84 = tpu.memref_squeeze %dma_wait3A_83 : memref<1x40x128xi32, #tpu.memory_space<hbm>> -> memref<40x128xi32, #tpu.memory_space<hbm>>
      tpu.wait_dma2 semaphore(%run_scoped3A : memref<!tpu.dma_semaphore, #tpu.memory_space<semaphore_mem>>) src(%dma_wait3A_84 : memref<40x128xi32, #tpu.memory_space<hbm>>) dst(%arg7 : memref<40x128xi32, #tpu.memory_space<vmem>>)
      tpu.yield
    }) : () -> ()
    "tpu.region"() ({
      %run_scoped3A = tpu.sem_alloc : memref<!tpu.dma_semaphore, #tpu.memory_space<semaphore_mem>>
      %dma_start3A_69 = arith.constant 0 : i32
      %dma_start3A_70 = arith.constant 0 : i32
      %dma_start3A_71 = tpu.memref_slice %arg4[%add3A, %dma_start3A_69, %dma_start3A_70] : memref<32x80x128xi32, #tpu.memory_space<hbm>> -> memref<1x40x128xi32, #tpu.memory_space<hbm>>
      %dma_start3A_72 = tpu.memref_squeeze %dma_start3A_71 : memref<1x40x128xi32, #tpu.memory_space<hbm>> -> memref<40x128xi32, #tpu.memory_space<hbm>>
      %dma_start3A_73 = arith.constant 0 : i32
      %dma_start3A_74 = arith.constant 0 : i32
      %dma_start3A_75 = tpu.memref_slice %arg4[%add3A, %dma_start3A_73, %dma_start3A_74] : memref<32x80x128xi32, #tpu.memory_space<hbm>> -> memref<1x40x128xi32, #tpu.memory_space<hbm>>
      %dma_start3A_76 = tpu.memref_squeeze %dma_start3A_75 : memref<1x40x128xi32, #tpu.memory_space<hbm>> -> memref<40x128xi32, #tpu.memory_space<hbm>>
      tpu.enqueue_dma source(%dma_start3A_76 : memref<40x128xi32, #tpu.memory_space<hbm>>) target(%arg8 : memref<40x128xi32, #tpu.memory_space<vmem>>) target_semaphore(%run_scoped3A : memref<!tpu.dma_semaphore, #tpu.memory_space<semaphore_mem>>)
      %dma_wait3A_77 = arith.constant 0 : i32
      %dma_wait3A_78 = arith.constant 0 : i32
      %dma_wait3A_79 = tpu.memref_slice %arg4[%add3A, %dma_wait3A_77, %dma_wait3A_78] : memref<32x80x128xi32, #tpu.memory_space<hbm>> -> memref<1x40x128xi32, #tpu.memory_space<hbm>>
      %dma_wait3A_80 = tpu.memref_squeeze %dma_wait3A_79 : memref<1x40x128xi32, #tpu.memory_space<hbm>> -> memref<40x128xi32, #tpu.memory_space<hbm>>
      %dma_wait3A_81 = arith.constant 0 : i32
      %dma_wait3A_82 = arith.constant 0 : i32
      %dma_wait3A_83 = tpu.memref_slice %arg4[%add3A, %dma_wait3A_81, %dma_wait3A_82] : memref<32x80x128xi32, #tpu.memory_space<hbm>> -> memref<1x40x128xi32, #tpu.memory_space<hbm>>
      %dma_wait3A_84 = tpu.memref_squeeze %dma_wait3A_83 : memref<1x40x128xi32, #tpu.memory_space<hbm>> -> memref<40x128xi32, #tpu.memory_space<hbm>>
      tpu.wait_dma2 semaphore(%run_scoped3A : memref<!tpu.dma_semaphore, #tpu.memory_space<semaphore_mem>>) src(%dma_wait3A_84 : memref<40x128xi32, #tpu.memory_space<hbm>>) dst(%arg8 : memref<40x128xi32, #tpu.memory_space<vmem>>)
      tpu.yield
    }) : () -> ()
    %dma_start3A = arith.constant 0 : i32
    %dma_start3A_3 = arith.constant 0 : i32
    %dma_start3A_4 = tpu.memref_slice %arg7[%dma_start3A, %dma_start3A_3] : memref<40x128xi32, #tpu.memory_space<vmem>> -> memref<1x128xi32, #tpu.memory_space<vmem>>
    %dma_start3A_5 = tpu.memref_squeeze %dma_start3A_4 : memref<1x128xi32, #tpu.memory_space<vmem>> -> memref<128xi32, #tpu.memory_space<vmem>>
    %dma_start3A_6 = arith.constant 0 : i32
    %dma_start3A_7 = arith.constant 0 : i32
    %dma_start3A_8 = tpu.memref_slice %arg2[%dma_start3A_6, %dma_start3A_7] : memref<10000x128xf32, #tpu.memory_space<hbm>> -> memref<10000x128xf32, #tpu.memory_space<hbm>>
    tpu.enqueue_indirect_dma source(%dma_start3A_8 : memref<10000x128xf32, #tpu.memory_space<hbm>>) target(%arg9 : memref<128x128xf32, #tpu.memory_space<vmem>>) offsets(%dma_start3A_5 : memref<128xi32, #tpu.memory_space<vmem>>) semaphore(%arg12 : memref<!tpu.dma_semaphore, #tpu.memory_space<semaphore_mem>>)
    %dma_start3A_9 = arith.constant 1 : i32
    %dma_start3A_10 = arith.constant 0 : i32
    %dma_start3A_11 = tpu.memref_slice %arg7[%dma_start3A_9, %dma_start3A_10] : memref<40x128xi32, #tpu.memory_space<vmem>> -> memref<1x128xi32, #tpu.memory_space<vmem>>
    %dma_start3A_12 = tpu.memref_squeeze %dma_start3A_11 : memref<1x128xi32, #tpu.memory_space<vmem>> -> memref<128xi32, #tpu.memory_space<vmem>>
    %dma_start3A_13 = arith.constant 0 : i32
    %dma_start3A_14 = arith.constant 0 : i32
    %dma_start3A_15 = tpu.memref_slice %arg2[%dma_start3A_13, %dma_start3A_14] : memref<10000x128xf32, #tpu.memory_space<hbm>> -> memref<10000x128xf32, #tpu.memory_space<hbm>>
    tpu.enqueue_indirect_dma source(%dma_start3A_15 : memref<10000x128xf32, #tpu.memory_space<hbm>>) target(%arg10 : memref<128x128xf32, #tpu.memory_space<vmem>>) offsets(%dma_start3A_12 : memref<128xi32, #tpu.memory_space<vmem>>) semaphore(%arg13 : memref<!tpu.dma_semaphore, #tpu.memory_space<semaphore_mem>>)
    %scan3A = arith.constant 0 : i32
    %scan3A_16 = arith.constant 0 : i32
    %scan3A_17 = arith.constant 20 : i32
    %scan3A_18 = arith.addi %scan3A_16, %scan3A_17 : i32
    %scan3A_19 = arith.constant 1 : i32
    scf.for %scan3A_69 = %scan3A_16 to %scan3A_18 step %scan3A_19  : i32 {
      %mul3A_70 = arith.constant 2 : i32
      %mul3A_71 = arith.muli %mul3A_70, %scan3A_69 : i32
      %dma_wait3A_72 = arith.constant 0 : i32
      %dma_wait3A_73 = tpu.memref_slice %arg7[%mul3A_71, %dma_wait3A_72] : memref<40x128xi32, #tpu.memory_space<vmem>> -> memref<1x128xi32, #tpu.memory_space<vmem>>
      %dma_wait3A_74 = tpu.memref_squeeze %dma_wait3A_73 : memref<1x128xi32, #tpu.memory_space<vmem>> -> memref<128xi32, #tpu.memory_space<vmem>>
      %dma_wait3A_75 = arith.constant 0 : i32
      %dma_wait3A_76 = arith.constant 0 : i32
      %dma_wait3A_77 = tpu.memref_slice %arg2[%dma_wait3A_75, %dma_wait3A_76] : memref<10000x128xf32, #tpu.memory_space<hbm>> -> memref<10000x128xf32, #tpu.memory_space<hbm>>
      tpu.wait_indirect_dma semaphore(%arg12 : memref<!tpu.dma_semaphore, #tpu.memory_space<semaphore_mem>>) src(%dma_wait3A_77 : memref<10000x128xf32, #tpu.memory_space<hbm>>) dst(%arg9 : memref<128x128xf32, #tpu.memory_space<vmem>>)
      "tpu.region"() ({
        %run_scoped3A = tpu.sem_alloc : memref<!tpu.dma_semaphore, #tpu.memory_space<semaphore_mem>>
        %dma_start3A_107 = arith.constant 0 : i32
        %dma_start3A_108 = tpu.memref_slice %arg8[%mul3A_71, %dma_start3A_107] : memref<40x128xi32, #tpu.memory_space<vmem>> -> memref<1x128xi32, #tpu.memory_space<vmem>>
        %dma_start3A_109 = tpu.memref_squeeze %dma_start3A_108 : memref<1x128xi32, #tpu.memory_space<vmem>> -> memref<128xi32, #tpu.memory_space<vmem>>
        %dma_start3A_110 = arith.constant 0 : i32
        %dma_start3A_111 = arith.constant 0 : i32
        %dma_start3A_112 = tpu.memref_slice %arg11[%dma_start3A_110, %dma_start3A_111] : memref<10240x128xf32, #tpu.memory_space<vmem_shared>> -> memref<10240x128xf32, #tpu.memory_space<vmem_shared>>
        tpu.enqueue_indirect_dma source(%arg9 : memref<128x128xf32, #tpu.memory_space<vmem>>) target(%dma_start3A_112 : memref<10240x128xf32, #tpu.memory_space<vmem_shared>>) offsets(%dma_start3A_109 : memref<128xi32, #tpu.memory_space<vmem>>) semaphore(%run_scoped3A : memref<!tpu.dma_semaphore, #tpu.memory_space<semaphore_mem>>) {add = true}
        %dma_wait3A_113 = arith.constant 0 : i32
        %dma_wait3A_114 = tpu.memref_slice %arg8[%mul3A_71, %dma_wait3A_113] : memref<40x128xi32, #tpu.memory_space<vmem>> -> memref<1x128xi32, #tpu.memory_space<vmem>>
        %dma_wait3A_115 = tpu.memref_squeeze %dma_wait3A_114 : memref<1x128xi32, #tpu.memory_space<vmem>> -> memref<128xi32, #tpu.memory_space<vmem>>
        %dma_wait3A_116 = arith.constant 0 : i32
        %dma_wait3A_117 = arith.constant 0 : i32
        %dma_wait3A_118 = tpu.memref_slice %arg11[%dma_wait3A_116, %dma_wait3A_117] : memref<10240x128xf32, #tpu.memory_space<vmem_shared>> -> memref<10240x128xf32, #tpu.memory_space<vmem_shared>>
        tpu.wait_indirect_dma semaphore(%run_scoped3A : memref<!tpu.dma_semaphore, #tpu.memory_space<semaphore_mem>>) src(%arg9 : memref<128x128xf32, #tpu.memory_space<vmem>>) dst(%dma_wait3A_118 : memref<10240x128xf32, #tpu.memory_space<vmem_shared>>)
        tpu.yield
      }) : () -> ()
      %add3A_78 = arith.constant 2 : i32
      %add3A_79 = arith.addi %mul3A_71, %add3A_78 : i32
      %min3A = arith.constant 39 : i32
      %min3A_80 = arith.minsi %add3A_79, %min3A : i32
      %dma_start3A_81 = arith.constant 0 : i32
      %dma_start3A_82 = tpu.memref_slice %arg7[%min3A_80, %dma_start3A_81] : memref<40x128xi32, #tpu.memory_space<vmem>> -> memref<1x128xi32, #tpu.memory_space<vmem>>
      %dma_start3A_83 = tpu.memref_squeeze %dma_start3A_82 : memref<1x128xi32, #tpu.memory_space<vmem>> -> memref<128xi32, #tpu.memory_space<vmem>>
      %dma_start3A_84 = arith.constant 0 : i32
      %dma_start3A_85 = arith.constant 0 : i32
      %dma_start3A_86 = tpu.memref_slice %arg2[%dma_start3A_84, %dma_start3A_85] : memref<10000x128xf32, #tpu.memory_space<hbm>> -> memref<10000x128xf32, #tpu.memory_space<hbm>>
      tpu.enqueue_indirect_dma source(%dma_start3A_86 : memref<10000x128xf32, #tpu.memory_space<hbm>>) target(%arg9 : memref<128x128xf32, #tpu.memory_space<vmem>>) offsets(%dma_start3A_83 : memref<128xi32, #tpu.memory_space<vmem>>) semaphore(%arg12 : memref<!tpu.dma_semaphore, #tpu.memory_space<semaphore_mem>>)
      %add3A_87 = arith.constant 1 : i32
      %add3A_88 = arith.addi %mul3A_71, %add3A_87 : i32
      %dma_wait3A_89 = arith.constant 0 : i32
      %dma_wait3A_90 = tpu.memref_slice %arg7[%add3A_88, %dma_wait3A_89] : memref<40x128xi32, #tpu.memory_space<vmem>> -> memref<1x128xi32, #tpu.memory_space<vmem>>
      %dma_wait3A_91 = tpu.memref_squeeze %dma_wait3A_90 : memref<1x128xi32, #tpu.memory_space<vmem>> -> memref<128xi32, #tpu.memory_space<vmem>>
      %dma_wait3A_92 = arith.constant 0 : i32
      %dma_wait3A_93 = arith.constant 0 : i32
      %dma_wait3A_94 = tpu.memref_slice %arg2[%dma_wait3A_92, %dma_wait3A_93] : memref<10000x128xf32, #tpu.memory_space<hbm>> -> memref<10000x128xf32, #tpu.memory_space<hbm>>
      tpu.wait_indirect_dma semaphore(%arg13 : memref<!tpu.dma_semaphore, #tpu.memory_space<semaphore_mem>>) src(%dma_wait3A_94 : memref<10000x128xf32, #tpu.memory_space<hbm>>) dst(%arg10 : memref<128x128xf32, #tpu.memory_space<vmem>>)
      %add3A_95 = arith.constant 1 : i32
      %add3A_96 = arith.addi %mul3A_71, %add3A_95 : i32
      "tpu.region"() ({
        %run_scoped3A = tpu.sem_alloc : memref<!tpu.dma_semaphore, #tpu.memory_space<semaphore_mem>>
        %dma_start3A_107 = arith.constant 0 : i32
        %dma_start3A_108 = tpu.memref_slice %arg8[%add3A_96, %dma_start3A_107] : memref<40x128xi32, #tpu.memory_space<vmem>> -> memref<1x128xi32, #tpu.memory_space<vmem>>
        %dma_start3A_109 = tpu.memref_squeeze %dma_start3A_108 : memref<1x128xi32, #tpu.memory_space<vmem>> -> memref<128xi32, #tpu.memory_space<vmem>>
        %dma_start3A_110 = arith.constant 0 : i32
        %dma_start3A_111 = arith.constant 0 : i32
        %dma_start3A_112 = tpu.memref_slice %arg11[%dma_start3A_110, %dma_start3A_111] : memref<10240x128xf32, #tpu.memory_space<vmem_shared>> -> memref<10240x128xf32, #tpu.memory_space<vmem_shared>>
        tpu.enqueue_indirect_dma source(%arg10 : memref<128x128xf32, #tpu.memory_space<vmem>>) target(%dma_start3A_112 : memref<10240x128xf32, #tpu.memory_space<vmem_shared>>) offsets(%dma_start3A_109 : memref<128xi32, #tpu.memory_space<vmem>>) semaphore(%run_scoped3A : memref<!tpu.dma_semaphore, #tpu.memory_space<semaphore_mem>>) {add = true}
        %dma_wait3A_113 = arith.constant 0 : i32
        %dma_wait3A_114 = tpu.memref_slice %arg8[%add3A_96, %dma_wait3A_113] : memref<40x128xi32, #tpu.memory_space<vmem>> -> memref<1x128xi32, #tpu.memory_space<vmem>>
        %dma_wait3A_115 = tpu.memref_squeeze %dma_wait3A_114 : memref<1x128xi32, #tpu.memory_space<vmem>> -> memref<128xi32, #tpu.memory_space<vmem>>
        %dma_wait3A_116 = arith.constant 0 : i32
        %dma_wait3A_117 = arith.constant 0 : i32
        %dma_wait3A_118 = tpu.memref_slice %arg11[%dma_wait3A_116, %dma_wait3A_117] : memref<10240x128xf32, #tpu.memory_space<vmem_shared>> -> memref<10240x128xf32, #tpu.memory_space<vmem_shared>>
        tpu.wait_indirect_dma semaphore(%run_scoped3A : memref<!tpu.dma_semaphore, #tpu.memory_space<semaphore_mem>>) src(%arg10 : memref<128x128xf32, #tpu.memory_space<vmem>>) dst(%dma_wait3A_118 : memref<10240x128xf32, #tpu.memory_space<vmem_shared>>)
        tpu.yield
      }) : () -> ()
      %add3A_97 = arith.constant 3 : i32
      %add3A_98 = arith.addi %mul3A_71, %add3A_97 : i32
      %min3A_99 = arith.constant 39 : i32
      %min3A_100 = arith.minsi %add3A_98, %min3A_99 : i32
      %dma_start3A_101 = arith.constant 0 : i32
      %dma_start3A_102 = tpu.memref_slice %arg7[%min3A_100, %dma_start3A_101] : memref<40x128xi32, #tpu.memory_space<vmem>> -> memref<1x128xi32, #tpu.memory_space<vmem>>
      %dma_start3A_103 = tpu.memref_squeeze %dma_start3A_102 : memref<1x128xi32, #tpu.memory_space<vmem>> -> memref<128xi32, #tpu.memory_space<vmem>>
      %dma_start3A_104 = arith.constant 0 : i32
      %dma_start3A_105 = arith.constant 0 : i32
      %dma_start3A_106 = tpu.memref_slice %arg2[%dma_start3A_104, %dma_start3A_105] : memref<10000x128xf32, #tpu.memory_space<hbm>> -> memref<10000x128xf32, #tpu.memory_space<hbm>>
      tpu.enqueue_indirect_dma source(%dma_start3A_106 : memref<10000x128xf32, #tpu.memory_space<hbm>>) target(%arg10 : memref<128x128xf32, #tpu.memory_space<vmem>>) offsets(%dma_start3A_103 : memref<128xi32, #tpu.memory_space<vmem>>) semaphore(%arg13 : memref<!tpu.dma_semaphore, #tpu.memory_space<semaphore_mem>>)
    }
    %scan3A_20 = arith.constant 20 : i32
    %dma_wait3A = arith.constant 39 : i32
    %dma_wait3A_21 = arith.constant 0 : i32
    %dma_wait3A_22 = tpu.memref_slice %arg7[%dma_wait3A, %dma_wait3A_21] : memref<40x128xi32, #tpu.memory_space<vmem>> -> memref<1x128xi32, #tpu.memory_space<vmem>>
    %dma_wait3A_23 = tpu.memref_squeeze %dma_wait3A_22 : memref<1x128xi32, #tpu.memory_space<vmem>> -> memref<128xi32, #tpu.memory_space<vmem>>
    %dma_wait3A_24 = arith.constant 0 : i32
    %dma_wait3A_25 = arith.constant 0 : i32
    %dma_wait3A_26 = tpu.memref_slice %arg2[%dma_wait3A_24, %dma_wait3A_25] : memref<10000x128xf32, #tpu.memory_space<hbm>> -> memref<10000x128xf32, #tpu.memory_space<hbm>>
    tpu.wait_indirect_dma semaphore(%arg12 : memref<!tpu.dma_semaphore, #tpu.memory_space<semaphore_mem>>) src(%dma_wait3A_26 : memref<10000x128xf32, #tpu.memory_space<hbm>>) dst(%arg9 : memref<128x128xf32, #tpu.memory_space<vmem>>)
    %dma_wait3A_27 = arith.constant 39 : i32
    %dma_wait3A_28 = arith.constant 0 : i32
    %dma_wait3A_29 = tpu.memref_slice %arg7[%dma_wait3A_27, %dma_wait3A_28] : memref<40x128xi32, #tpu.memory_space<vmem>> -> memref<1x128xi32, #tpu.memory_space<vmem>>
    %dma_wait3A_30 = tpu.memref_squeeze %dma_wait3A_29 : memref<1x128xi32, #tpu.memory_space<vmem>> -> memref<128xi32, #tpu.memory_space<vmem>>
    %dma_wait3A_31 = arith.constant 0 : i32
    %dma_wait3A_32 = arith.constant 0 : i32
    %dma_wait3A_33 = tpu.memref_slice %arg2[%dma_wait3A_31, %dma_wait3A_32] : memref<10000x128xf32, #tpu.memory_space<hbm>> -> memref<10000x128xf32, #tpu.memory_space<hbm>>
    tpu.wait_indirect_dma semaphore(%arg13 : memref<!tpu.dma_semaphore, #tpu.memory_space<semaphore_mem>>) src(%dma_wait3A_33 : memref<10000x128xf32, #tpu.memory_space<hbm>>) dst(%arg10 : memref<128x128xf32, #tpu.memory_space<vmem>>)
    "tpu.region"() ({
      %run_scoped3A = tpu.sem_alloc : memref<!tpu.dma_semaphore, #tpu.memory_space<semaphore_mem>>
      %dma_start3A_69 = arith.constant 40 : i32
      %dma_start3A_70 = arith.constant 0 : i32
      %dma_start3A_71 = tpu.memref_slice %arg3[%add3A, %dma_start3A_69, %dma_start3A_70] : memref<32x80x128xi32, #tpu.memory_space<hbm>> -> memref<1x40x128xi32, #tpu.memory_space<hbm>>
      %dma_start3A_72 = tpu.memref_squeeze %dma_start3A_71 : memref<1x40x128xi32, #tpu.memory_space<hbm>> -> memref<40x128xi32, #tpu.memory_space<hbm>>
      %dma_start3A_73 = arith.constant 40 : i32
      %dma_start3A_74 = arith.constant 0 : i32
      %dma_start3A_75 = tpu.memref_slice %arg3[%add3A, %dma_start3A_73, %dma_start3A_74] : memref<32x80x128xi32, #tpu.memory_space<hbm>> -> memref<1x40x128xi32, #tpu.memory_space<hbm>>
      %dma_start3A_76 = tpu.memref_squeeze %dma_start3A_75 : memref<1x40x128xi32, #tpu.memory_space<hbm>> -> memref<40x128xi32, #tpu.memory_space<hbm>>
      tpu.enqueue_dma source(%dma_start3A_76 : memref<40x128xi32, #tpu.memory_space<hbm>>) target(%arg7 : memref<40x128xi32, #tpu.memory_space<vmem>>) target_semaphore(%run_scoped3A : memref<!tpu.dma_semaphore, #tpu.memory_space<semaphore_mem>>)
      %dma_wait3A_77 = arith.constant 40 : i32
      %dma_wait3A_78 = arith.constant 0 : i32
      %dma_wait3A_79 = tpu.memref_slice %arg3[%add3A, %dma_wait3A_77, %dma_wait3A_78] : memref<32x80x128xi32, #tpu.memory_space<hbm>> -> memref<1x40x128xi32, #tpu.memory_space<hbm>>
      %dma_wait3A_80 = tpu.memref_squeeze %dma_wait3A_79 : memref<1x40x128xi32, #tpu.memory_space<hbm>> -> memref<40x128xi32, #tpu.memory_space<hbm>>
      %dma_wait3A_81 = arith.constant 40 : i32
      %dma_wait3A_82 = arith.constant 0 : i32
      %dma_wait3A_83 = tpu.memref_slice %arg3[%add3A, %dma_wait3A_81, %dma_wait3A_82] : memref<32x80x128xi32, #tpu.memory_space<hbm>> -> memref<1x40x128xi32, #tpu.memory_space<hbm>>
      %dma_wait3A_84 = tpu.memref_squeeze %dma_wait3A_83 : memref<1x40x128xi32, #tpu.memory_space<hbm>> -> memref<40x128xi32, #tpu.memory_space<hbm>>
      tpu.wait_dma2 semaphore(%run_scoped3A : memref<!tpu.dma_semaphore, #tpu.memory_space<semaphore_mem>>) src(%dma_wait3A_84 : memref<40x128xi32, #tpu.memory_space<hbm>>) dst(%arg7 : memref<40x128xi32, #tpu.memory_space<vmem>>)
      tpu.yield
    }) : () -> ()
    "tpu.region"() ({
      %run_scoped3A = tpu.sem_alloc : memref<!tpu.dma_semaphore, #tpu.memory_space<semaphore_mem>>
      %dma_start3A_69 = arith.constant 40 : i32
      %dma_start3A_70 = arith.constant 0 : i32
      %dma_start3A_71 = tpu.memref_slice %arg4[%add3A, %dma_start3A_69, %dma_start3A_70] : memref<32x80x128xi32, #tpu.memory_space<hbm>> -> memref<1x40x128xi32, #tpu.memory_space<hbm>>
      %dma_start3A_72 = tpu.memref_squeeze %dma_start3A_71 : memref<1x40x128xi32, #tpu.memory_space<hbm>> -> memref<40x128xi32, #tpu.memory_space<hbm>>
      %dma_start3A_73 = arith.constant 40 : i32
      %dma_start3A_74 = arith.constant 0 : i32
      %dma_start3A_75 = tpu.memref_slice %arg4[%add3A, %dma_start3A_73, %dma_start3A_74] : memref<32x80x128xi32, #tpu.memory_space<hbm>> -> memref<1x40x128xi32, #tpu.memory_space<hbm>>
      %dma_start3A_76 = tpu.memref_squeeze %dma_start3A_75 : memref<1x40x128xi32, #tpu.memory_space<hbm>> -> memref<40x128xi32, #tpu.memory_space<hbm>>
      tpu.enqueue_dma source(%dma_start3A_76 : memref<40x128xi32, #tpu.memory_space<hbm>>) target(%arg8 : memref<40x128xi32, #tpu.memory_space<vmem>>) target_semaphore(%run_scoped3A : memref<!tpu.dma_semaphore, #tpu.memory_space<semaphore_mem>>)
      %dma_wait3A_77 = arith.constant 40 : i32
      %dma_wait3A_78 = arith.constant 0 : i32
      %dma_wait3A_79 = tpu.memref_slice %arg4[%add3A, %dma_wait3A_77, %dma_wait3A_78] : memref<32x80x128xi32, #tpu.memory_space<hbm>> -> memref<1x40x128xi32, #tpu.memory_space<hbm>>
      %dma_wait3A_80 = tpu.memref_squeeze %dma_wait3A_79 : memref<1x40x128xi32, #tpu.memory_space<hbm>> -> memref<40x128xi32, #tpu.memory_space<hbm>>
      %dma_wait3A_81 = arith.constant 40 : i32
      %dma_wait3A_82 = arith.constant 0 : i32
      %dma_wait3A_83 = tpu.memref_slice %arg4[%add3A, %dma_wait3A_81, %dma_wait3A_82] : memref<32x80x128xi32, #tpu.memory_space<hbm>> -> memref<1x40x128xi32, #tpu.memory_space<hbm>>
      %dma_wait3A_84 = tpu.memref_squeeze %dma_wait3A_83 : memref<1x40x128xi32, #tpu.memory_space<hbm>> -> memref<40x128xi32, #tpu.memory_space<hbm>>
      tpu.wait_dma2 semaphore(%run_scoped3A : memref<!tpu.dma_semaphore, #tpu.memory_space<semaphore_mem>>) src(%dma_wait3A_84 : memref<40x128xi32, #tpu.memory_space<hbm>>) dst(%arg8 : memref<40x128xi32, #tpu.memory_space<vmem>>)
      tpu.yield
    }) : () -> ()
    %dma_start3A_34 = arith.constant 0 : i32
    %dma_start3A_35 = arith.constant 0 : i32
    %dma_start3A_36 = tpu.memref_slice %arg7[%dma_start3A_34, %dma_start3A_35] : memref<40x128xi32, #tpu.memory_space<vmem>> -> memref<1x128xi32, #tpu.memory_space<vmem>>
    %dma_start3A_37 = tpu.memref_squeeze %dma_start3A_36 : memref<1x128xi32, #tpu.memory_space<vmem>> -> memref<128xi32, #tpu.memory_space<vmem>>
    %dma_start3A_38 = arith.constant 0 : i32
    %dma_start3A_39 = arith.constant 0 : i32
    %dma_start3A_40 = tpu.memref_slice %arg2[%dma_start3A_38, %dma_start3A_39] : memref<10000x128xf32, #tpu.memory_space<hbm>> -> memref<10000x128xf32, #tpu.memory_space<hbm>>
    tpu.enqueue_indirect_dma source(%dma_start3A_40 : memref<10000x128xf32, #tpu.memory_space<hbm>>) target(%arg9 : memref<128x128xf32, #tpu.memory_space<vmem>>) offsets(%dma_start3A_37 : memref<128xi32, #tpu.memory_space<vmem>>) semaphore(%arg12 : memref<!tpu.dma_semaphore, #tpu.memory_space<semaphore_mem>>)
    %dma_start3A_41 = arith.constant 1 : i32
    %dma_start3A_42 = arith.constant 0 : i32
    %dma_start3A_43 = tpu.memref_slice %arg7[%dma_start3A_41, %dma_start3A_42] : memref<40x128xi32, #tpu.memory_space<vmem>> -> memref<1x128xi32, #tpu.memory_space<vmem>>
    %dma_start3A_44 = tpu.memref_squeeze %dma_start3A_43 : memref<1x128xi32, #tpu.memory_space<vmem>> -> memref<128xi32, #tpu.memory_space<vmem>>
    %dma_start3A_45 = arith.constant 0 : i32
    %dma_start3A_46 = arith.constant 0 : i32
    %dma_start3A_47 = tpu.memref_slice %arg2[%dma_start3A_45, %dma_start3A_46] : memref<10000x128xf32, #tpu.memory_space<hbm>> -> memref<10000x128xf32, #tpu.memory_space<hbm>>
    tpu.enqueue_indirect_dma source(%dma_start3A_47 : memref<10000x128xf32, #tpu.memory_space<hbm>>) target(%arg10 : memref<128x128xf32, #tpu.memory_space<vmem>>) offsets(%dma_start3A_44 : memref<128xi32, #tpu.memory_space<vmem>>) semaphore(%arg13 : memref<!tpu.dma_semaphore, #tpu.memory_space<semaphore_mem>>)
    %scan3A_48 = arith.constant 0 : i32
    %scan3A_49 = arith.constant 0 : i32
    %scan3A_50 = arith.constant 20 : i32
    %scan3A_51 = arith.addi %scan3A_49, %scan3A_50 : i32
    %scan3A_52 = arith.constant 1 : i32
    scf.for %scan3A_69 = %scan3A_49 to %scan3A_51 step %scan3A_52  : i32 {
      %mul3A_70 = arith.constant 2 : i32
      %mul3A_71 = arith.muli %mul3A_70, %scan3A_69 : i32
      %dma_wait3A_72 = arith.constant 0 : i32
      %dma_wait3A_73 = tpu.memref_slice %arg7[%mul3A_71, %dma_wait3A_72] : memref<40x128xi32, #tpu.memory_space<vmem>> -> memref<1x128xi32, #tpu.memory_space<vmem>>
      %dma_wait3A_74 = tpu.memref_squeeze %dma_wait3A_73 : memref<1x128xi32, #tpu.memory_space<vmem>> -> memref<128xi32, #tpu.memory_space<vmem>>
      %dma_wait3A_75 = arith.constant 0 : i32
      %dma_wait3A_76 = arith.constant 0 : i32
      %dma_wait3A_77 = tpu.memref_slice %arg2[%dma_wait3A_75, %dma_wait3A_76] : memref<10000x128xf32, #tpu.memory_space<hbm>> -> memref<10000x128xf32, #tpu.memory_space<hbm>>
      tpu.wait_indirect_dma semaphore(%arg12 : memref<!tpu.dma_semaphore, #tpu.memory_space<semaphore_mem>>) src(%dma_wait3A_77 : memref<10000x128xf32, #tpu.memory_space<hbm>>) dst(%arg9 : memref<128x128xf32, #tpu.memory_space<vmem>>)
      "tpu.region"() ({
        %run_scoped3A = tpu.sem_alloc : memref<!tpu.dma_semaphore, #tpu.memory_space<semaphore_mem>>
        %dma_start3A_107 = arith.constant 0 : i32
        %dma_start3A_108 = tpu.memref_slice %arg8[%mul3A_71, %dma_start3A_107] : memref<40x128xi32, #tpu.memory_space<vmem>> -> memref<1x128xi32, #tpu.memory_space<vmem>>
        %dma_start3A_109 = tpu.memref_squeeze %dma_start3A_108 : memref<1x128xi32, #tpu.memory_space<vmem>> -> memref<128xi32, #tpu.memory_space<vmem>>
        %dma_start3A_110 = arith.constant 0 : i32
        %dma_start3A_111 = arith.constant 0 : i32
        %dma_start3A_112 = tpu.memref_slice %arg11[%dma_start3A_110, %dma_start3A_111] : memref<10240x128xf32, #tpu.memory_space<vmem_shared>> -> memref<10240x128xf32, #tpu.memory_space<vmem_shared>>
        tpu.enqueue_indirect_dma source(%arg9 : memref<128x128xf32, #tpu.memory_space<vmem>>) target(%dma_start3A_112 : memref<10240x128xf32, #tpu.memory_space<vmem_shared>>) offsets(%dma_start3A_109 : memref<128xi32, #tpu.memory_space<vmem>>) semaphore(%run_scoped3A : memref<!tpu.dma_semaphore, #tpu.memory_space<semaphore_mem>>) {add = true}
        %dma_wait3A_113 = arith.constant 0 : i32
        %dma_wait3A_114 = tpu.memref_slice %arg8[%mul3A_71, %dma_wait3A_113] : memref<40x128xi32, #tpu.memory_space<vmem>> -> memref<1x128xi32, #tpu.memory_space<vmem>>
        %dma_wait3A_115 = tpu.memref_squeeze %dma_wait3A_114 : memref<1x128xi32, #tpu.memory_space<vmem>> -> memref<128xi32, #tpu.memory_space<vmem>>
        %dma_wait3A_116 = arith.constant 0 : i32
        %dma_wait3A_117 = arith.constant 0 : i32
        %dma_wait3A_118 = tpu.memref_slice %arg11[%dma_wait3A_116, %dma_wait3A_117] : memref<10240x128xf32, #tpu.memory_space<vmem_shared>> -> memref<10240x128xf32, #tpu.memory_space<vmem_shared>>
        tpu.wait_indirect_dma semaphore(%run_scoped3A : memref<!tpu.dma_semaphore, #tpu.memory_space<semaphore_mem>>) src(%arg9 : memref<128x128xf32, #tpu.memory_space<vmem>>) dst(%dma_wait3A_118 : memref<10240x128xf32, #tpu.memory_space<vmem_shared>>)
        tpu.yield
      }) : () -> ()
      %add3A_78 = arith.constant 2 : i32
      %add3A_79 = arith.addi %mul3A_71, %add3A_78 : i32
      %min3A = arith.constant 39 : i32
      %min3A_80 = arith.minsi %add3A_79, %min3A : i32
      %dma_start3A_81 = arith.constant 0 : i32
      %dma_start3A_82 = tpu.memref_slice %arg7[%min3A_80, %dma_start3A_81] : memref<40x128xi32, #tpu.memory_space<vmem>> -> memref<1x128xi32, #tpu.memory_space<vmem>>
      %dma_start3A_83 = tpu.memref_squeeze %dma_start3A_82 : memref<1x128xi32, #tpu.memory_space<vmem>> -> memref<128xi32, #tpu.memory_space<vmem>>
      %dma_start3A_84 = arith.constant 0 : i32
      %dma_start3A_85 = arith.constant 0 : i32
      %dma_start3A_86 = tpu.memref_slice %arg2[%dma_start3A_84, %dma_start3A_85] : memref<10000x128xf32, #tpu.memory_space<hbm>> -> memref<10000x128xf32, #tpu.memory_space<hbm>>
      tpu.enqueue_indirect_dma source(%dma_start3A_86 : memref<10000x128xf32, #tpu.memory_space<hbm>>) target(%arg9 : memref<128x128xf32, #tpu.memory_space<vmem>>) offsets(%dma_start3A_83 : memref<128xi32, #tpu.memory_space<vmem>>) semaphore(%arg12 : memref<!tpu.dma_semaphore, #tpu.memory_space<semaphore_mem>>)
      %add3A_87 = arith.constant 1 : i32
      %add3A_88 = arith.addi %mul3A_71, %add3A_87 : i32
      %dma_wait3A_89 = arith.constant 0 : i32
      %dma_wait3A_90 = tpu.memref_slice %arg7[%add3A_88, %dma_wait3A_89] : memref<40x128xi32, #tpu.memory_space<vmem>> -> memref<1x128xi32, #tpu.memory_space<vmem>>
      %dma_wait3A_91 = tpu.memref_squeeze %dma_wait3A_90 : memref<1x128xi32, #tpu.memory_space<vmem>> -> memref<128xi32, #tpu.memory_space<vmem>>
      %dma_wait3A_92 = arith.constant 0 : i32
      %dma_wait3A_93 = arith.constant 0 : i32
      %dma_wait3A_94 = tpu.memref_slice %arg2[%dma_wait3A_92, %dma_wait3A_93] : memref<10000x128xf32, #tpu.memory_space<hbm>> -> memref<10000x128xf32, #tpu.memory_space<hbm>>
      tpu.wait_indirect_dma semaphore(%arg13 : memref<!tpu.dma_semaphore, #tpu.memory_space<semaphore_mem>>) src(%dma_wait3A_94 : memref<10000x128xf32, #tpu.memory_space<hbm>>) dst(%arg10 : memref<128x128xf32, #tpu.memory_space<vmem>>)
      %add3A_95 = arith.constant 1 : i32
      %add3A_96 = arith.addi %mul3A_71, %add3A_95 : i32
      "tpu.region"() ({
        %run_scoped3A = tpu.sem_alloc : memref<!tpu.dma_semaphore, #tpu.memory_space<semaphore_mem>>
        %dma_start3A_107 = arith.constant 0 : i32
        %dma_start3A_108 = tpu.memref_slice %arg8[%add3A_96, %dma_start3A_107] : memref<40x128xi32, #tpu.memory_space<vmem>> -> memref<1x128xi32, #tpu.memory_space<vmem>>
        %dma_start3A_109 = tpu.memref_squeeze %dma_start3A_108 : memref<1x128xi32, #tpu.memory_space<vmem>> -> memref<128xi32, #tpu.memory_space<vmem>>
        %dma_start3A_110 = arith.constant 0 : i32
        %dma_start3A_111 = arith.constant 0 : i32
        %dma_start3A_112 = tpu.memref_slice %arg11[%dma_start3A_110, %dma_start3A_111] : memref<10240x128xf32, #tpu.memory_space<vmem_shared>> -> memref<10240x128xf32, #tpu.memory_space<vmem_shared>>
        tpu.enqueue_indirect_dma source(%arg10 : memref<128x128xf32, #tpu.memory_space<vmem>>) target(%dma_start3A_112 : memref<10240x128xf32, #tpu.memory_space<vmem_shared>>) offsets(%dma_start3A_109 : memref<128xi32, #tpu.memory_space<vmem>>) semaphore(%run_scoped3A : memref<!tpu.dma_semaphore, #tpu.memory_space<semaphore_mem>>) {add = true}
        %dma_wait3A_113 = arith.constant 0 : i32
        %dma_wait3A_114 = tpu.memref_slice %arg8[%add3A_96, %dma_wait3A_113] : memref<40x128xi32, #tpu.memory_space<vmem>> -> memref<1x128xi32, #tpu.memory_space<vmem>>
        %dma_wait3A_115 = tpu.memref_squeeze %dma_wait3A_114 : memref<1x128xi32, #tpu.memory_space<vmem>> -> memref<128xi32, #tpu.memory_space<vmem>>
        %dma_wait3A_116 = arith.constant 0 : i32
        %dma_wait3A_117 = arith.constant 0 : i32
        %dma_wait3A_118 = tpu.memref_slice %arg11[%dma_wait3A_116, %dma_wait3A_117] : memref<10240x128xf32, #tpu.memory_space<vmem_shared>> -> memref<10240x128xf32, #tpu.memory_space<vmem_shared>>
        tpu.wait_indirect_dma semaphore(%run_scoped3A : memref<!tpu.dma_semaphore, #tpu.memory_space<semaphore_mem>>) src(%arg10 : memref<128x128xf32, #tpu.memory_space<vmem>>) dst(%dma_wait3A_118 : memref<10240x128xf32, #tpu.memory_space<vmem_shared>>)
        tpu.yield
      }) : () -> ()
      %add3A_97 = arith.constant 3 : i32
      %add3A_98 = arith.addi %mul3A_71, %add3A_97 : i32
      %min3A_99 = arith.constant 39 : i32
      %min3A_100 = arith.minsi %add3A_98, %min3A_99 : i32
      %dma_start3A_101 = arith.constant 0 : i32
      %dma_start3A_102 = tpu.memref_slice %arg7[%min3A_100, %dma_start3A_101] : memref<40x128xi32, #tpu.memory_space<vmem>> -> memref<1x128xi32, #tpu.memory_space<vmem>>
      %dma_start3A_103 = tpu.memref_squeeze %dma_start3A_102 : memref<1x128xi32, #tpu.memory_space<vmem>> -> memref<128xi32, #tpu.memory_space<vmem>>
      %dma_start3A_104 = arith.constant 0 : i32
      %dma_start3A_105 = arith.constant 0 : i32
      %dma_start3A_106 = tpu.memref_slice %arg2[%dma_start3A_104, %dma_start3A_105] : memref<10000x128xf32, #tpu.memory_space<hbm>> -> memref<10000x128xf32, #tpu.memory_space<hbm>>
      tpu.enqueue_indirect_dma source(%dma_start3A_106 : memref<10000x128xf32, #tpu.memory_space<hbm>>) target(%arg10 : memref<128x128xf32, #tpu.memory_space<vmem>>) offsets(%dma_start3A_103 : memref<128xi32, #tpu.memory_space<vmem>>) semaphore(%arg13 : memref<!tpu.dma_semaphore, #tpu.memory_space<semaphore_mem>>)
    }
    %scan3A_53 = arith.constant 20 : i32
    %dma_wait3A_54 = arith.constant 39 : i32
    %dma_wait3A_55 = arith.constant 0 : i32
    %dma_wait3A_56 = tpu.memref_slice %arg7[%dma_wait3A_54, %dma_wait3A_55] : memref<40x128xi32, #tpu.memory_space<vmem>> -> memref<1x128xi32, #tpu.memory_space<vmem>>
    %dma_wait3A_57 = tpu.memref_squeeze %dma_wait3A_56 : memref<1x128xi32, #tpu.memory_space<vmem>> -> memref<128xi32, #tpu.memory_space<vmem>>
    %dma_wait3A_58 = arith.constant 0 : i32
    %dma_wait3A_59 = arith.constant 0 : i32
    %dma_wait3A_60 = tpu.memref_slice %arg2[%dma_wait3A_58, %dma_wait3A_59] : memref<10000x128xf32, #tpu.memory_space<hbm>> -> memref<10000x128xf32, #tpu.memory_space<hbm>>
    tpu.wait_indirect_dma semaphore(%arg12 : memref<!tpu.dma_semaphore, #tpu.memory_space<semaphore_mem>>) src(%dma_wait3A_60 : memref<10000x128xf32, #tpu.memory_space<hbm>>) dst(%arg9 : memref<128x128xf32, #tpu.memory_space<vmem>>)
    %dma_wait3A_61 = arith.constant 39 : i32
    %dma_wait3A_62 = arith.constant 0 : i32
    %dma_wait3A_63 = tpu.memref_slice %arg7[%dma_wait3A_61, %dma_wait3A_62] : memref<40x128xi32, #tpu.memory_space<vmem>> -> memref<1x128xi32, #tpu.memory_space<vmem>>
    %dma_wait3A_64 = tpu.memref_squeeze %dma_wait3A_63 : memref<1x128xi32, #tpu.memory_space<vmem>> -> memref<128xi32, #tpu.memory_space<vmem>>
    %dma_wait3A_65 = arith.constant 0 : i32
    %dma_wait3A_66 = arith.constant 0 : i32
    %dma_wait3A_67 = tpu.memref_slice %arg2[%dma_wait3A_65, %dma_wait3A_66] : memref<10000x128xf32, #tpu.memory_space<hbm>> -> memref<10000x128xf32, #tpu.memory_space<hbm>>
    tpu.wait_indirect_dma semaphore(%arg13 : memref<!tpu.dma_semaphore, #tpu.memory_space<semaphore_mem>>) src(%dma_wait3A_67 : memref<10000x128xf32, #tpu.memory_space<hbm>>) dst(%arg10 : memref<128x128xf32, #tpu.memory_space<vmem>>)
    %barrier3A_68 = arith.constant 0 : index
    tpu.barrier barrier_id(%barrier3A_68)
    "tpu.region"() ({
      %run_scoped3A = tpu.sem_alloc : memref<!tpu.dma_semaphore, #tpu.memory_space<semaphore_mem>>
      %dma_start3A_69 = arith.constant 0 : i32
      %dma_start3A_70 = tpu.memref_slice %arg6[%arg0, %mul3A_2, %dma_start3A_69] : memref<2x10240x128xf32, #tpu.memory_space<hbm>> -> memref<1x640x128xf32, #tpu.memory_space<hbm>>
      %dma_start3A_71 = tpu.memref_squeeze %dma_start3A_70 : memref<1x640x128xf32, #tpu.memory_space<hbm>> -> memref<640x128xf32, #tpu.memory_space<hbm>>
      %dma_start3A_72 = arith.constant 0 : i32
      %dma_start3A_73 = tpu.memref_slice %arg11[%mul3A_2, %dma_start3A_72] : memref<10240x128xf32, #tpu.memory_space<vmem_shared>> -> memref<640x128xf32, #tpu.memory_space<vmem_shared>>
      tpu.enqueue_dma source(%dma_start3A_73 : memref<640x128xf32, #tpu.memory_space<vmem_shared>>) target(%dma_start3A_71 : memref<640x128xf32, #tpu.memory_space<hbm>>) target_semaphore(%run_scoped3A : memref<!tpu.dma_semaphore, #tpu.memory_space<semaphore_mem>>)
      %dma_wait3A_74 = arith.constant 0 : i32
      %dma_wait3A_75 = tpu.memref_slice %arg6[%arg0, %mul3A_2, %dma_wait3A_74] : memref<2x10240x128xf32, #tpu.memory_space<hbm>> -> memref<1x640x128xf32, #tpu.memory_space<hbm>>
      %dma_wait3A_76 = tpu.memref_squeeze %dma_wait3A_75 : memref<1x640x128xf32, #tpu.memory_space<hbm>> -> memref<640x128xf32, #tpu.memory_space<hbm>>
      %dma_wait3A_77 = arith.constant 0 : i32
      %dma_wait3A_78 = tpu.memref_slice %arg11[%mul3A_2, %dma_wait3A_77] : memref<10240x128xf32, #tpu.memory_space<vmem_shared>> -> memref<640x128xf32, #tpu.memory_space<vmem_shared>>
      tpu.wait_dma2 semaphore(%run_scoped3A : memref<!tpu.dma_semaphore, #tpu.memory_space<semaphore_mem>>) src(%dma_wait3A_78 : memref<640x128xf32, #tpu.memory_space<vmem_shared>>) dst(%dma_wait3A_76 : memref<640x128xf32, #tpu.memory_space<hbm>>)
      tpu.yield
    }) : () -> ()
    return
  }
}

#map = affine_map<(d0, d1) -> (0, 0)>
#map1 = affine_map<(d0, d1) -> (0, 0, 0)>
module attributes {stable_mosaic.version = 14 : i64} {
  func.func @k(%arg0: i32, %arg1: i32, %arg2: memref<10000x128xf32, #tpu.memory_space<hbm>>, %arg3: memref<32x80x128xi32, #tpu.memory_space<hbm>>, %arg4: memref<32x80x128xi32, #tpu.memory_space<hbm>>, %arg5: memref<10240x128xf32, #tpu.memory_space<hbm>>, %arg6: memref<2x10240x128xf32, #tpu.memory_space<hbm>>, %arg7: memref<40x128xi32, #tpu.memory_space<vmem>>, %arg8: memref<40x128xi32, #tpu.memory_space<vmem>>, %arg9: memref<128x128xf32, #tpu.memory_space<vmem>>, %arg10: memref<128x128xf32, #tpu.memory_space<vmem>>, %arg11: memref<10240x128xf32, #tpu.memory_space<vmem_shared>>, %arg12: memref<!tpu.dma_semaphore, #tpu.memory_space<semaphore_mem>>, %arg13: memref<!tpu.dma_semaphore, #tpu.memory_space<semaphore_mem>>) attributes {dimension_semantics = [#tpu.dimension_semantics<core_parallel>, #tpu.dimension_semantics<subcore_parallel>], iteration_bounds = array<i64: 2, 16>, scalar_prefetch = 0 : i64, scratch_operands = 7 : i64, tpu.core_type = #tpu.core_type<sc_vector_subcore>, window_params = [{transform_indices = #map}, {transform_indices = #map1}, {transform_indices = #map1}, {transform_indices = #map}, {transform_indices = #map1}]} {
    %mul3A = arith.constant 16 : i32
    %mul3A_0 = arith.muli %arg0, %mul3A : i32
    %add3A = arith.addi %mul3A_0, %arg1 : i32
    %mul3A_1 = arith.constant 640 : i32
    %mul3A_2 = arith.muli %arg1, %mul3A_1 : i32
    "tpu.region"() ({
      %run_scoped3A = tpu.sem_alloc : memref<!tpu.dma_semaphore, #tpu.memory_space<semaphore_mem>>
      %dma_start3A_69 = arith.constant 0 : i32
      %dma_start3A_70 = tpu.memref_slice %arg11[%mul3A_2, %dma_start3A_69] : memref<10240x128xf32, #tpu.memory_space<vmem_shared>> -> memref<640x128xf32, #tpu.memory_space<vmem_shared>>
      %dma_start3A_71 = arith.constant 0 : i32
      %dma_start3A_72 = tpu.memref_slice %arg5[%mul3A_2, %dma_start3A_71] : memref<10240x128xf32, #tpu.memory_space<hbm>> -> memref<640x128xf32, #tpu.memory_space<hbm>>
      tpu.enqueue_dma source(%dma_start3A_72 : memref<640x128xf32, #tpu.memory_space<hbm>>) target(%dma_start3A_70 : memref<640x128xf32, #tpu.memory_space<vmem_shared>>) target_semaphore(%run_scoped3A : memref<!tpu.dma_semaphore, #tpu.memory_space<semaphore_mem>>)
      %dma_wait3A_73 = arith.constant 0 : i32
      %dma_wait3A_74 = tpu.memref_slice %arg11[%mul3A_2, %dma_wait3A_73] : memref<10240x128xf32, #tpu.memory_space<vmem_shared>> -> memref<640x128xf32, #tpu.memory_space<vmem_shared>>
      %dma_wait3A_75 = arith.constant 0 : i32
      %dma_wait3A_76 = tpu.memref_slice %arg5[%mul3A_2, %dma_wait3A_75] : memref<10240x128xf32, #tpu.memory_space<hbm>> -> memref<640x128xf32, #tpu.memory_space<hbm>>
      tpu.wait_dma2 semaphore(%run_scoped3A : memref<!tpu.dma_semaphore, #tpu.memory_space<semaphore_mem>>) src(%dma_wait3A_76 : memref<640x128xf32, #tpu.memory_space<hbm>>) dst(%dma_wait3A_74 : memref<640x128xf32, #tpu.memory_space<vmem_shared>>)
      tpu.yield
    }) : () -> ()
    %barrier3A = arith.constant 0 : index
    tpu.barrier barrier_id(%barrier3A)
    "tpu.region"() ({
      %run_scoped3A = tpu.sem_alloc : memref<!tpu.dma_semaphore, #tpu.memory_space<semaphore_mem>>
      %dma_start3A_69 = arith.constant 0 : i32
      %dma_start3A_70 = arith.constant 0 : i32
      %dma_start3A_71 = tpu.memref_slice %arg3[%add3A, %dma_start3A_69, %dma_start3A_70] : memref<32x80x128xi32, #tpu.memory_space<hbm>> -> memref<1x40x128xi32, #tpu.memory_space<hbm>>
      %dma_start3A_72 = tpu.memref_squeeze %dma_start3A_71 : memref<1x40x128xi32, #tpu.memory_space<hbm>> -> memref<40x128xi32, #tpu.memory_space<hbm>>
      %dma_start3A_73 = arith.constant 0 : i32
      %dma_start3A_74 = arith.constant 0 : i32
      %dma_start3A_75 = tpu.memref_slice %arg3[%add3A, %dma_start3A_73, %dma_start3A_74] : memref<32x80x128xi32, #tpu.memory_space<hbm>> -> memref<1x40x128xi32, #tpu.memory_space<hbm>>
      %dma_start3A_76 = tpu.memref_squeeze %dma_start3A_75 : memref<1x40x128xi32, #tpu.memory_space<hbm>> -> memref<40x128xi32, #tpu.memory_space<hbm>>
      tpu.enqueue_dma source(%dma_start3A_76 : memref<40x128xi32, #tpu.memory_space<hbm>>) target(%arg7 : memref<40x128xi32, #tpu.memory_space<vmem>>) target_semaphore(%run_scoped3A : memref<!tpu.dma_semaphore, #tpu.memory_space<semaphore_mem>>)
      %dma_wait3A_77 = arith.constant 0 : i32
      %dma_wait3A_78 = arith.constant 0 : i32
      %dma_wait3A_79 = tpu.memref_slice %arg3[%add3A, %dma_wait3A_77, %dma_wait3A_78] : memref<32x80x128xi32, #tpu.memory_space<hbm>> -> memref<1x40x128xi32, #tpu.memory_space<hbm>>
      %dma_wait3A_80 = tpu.memref_squeeze %dma_wait3A_79 : memref<1x40x128xi32, #tpu.memory_space<hbm>> -> memref<40x128xi32, #tpu.memory_space<hbm>>
      %dma_wait3A_81 = arith.constant 0 : i32
      %dma_wait3A_82 = arith.constant 0 : i32
      %dma_wait3A_83 = tpu.memref_slice %arg3[%add3A, %dma_wait3A_81, %dma_wait3A_82] : memref<32x80x128xi32, #tpu.memory_space<hbm>> -> memref<1x40x128xi32, #tpu.memory_space<hbm>>
      %dma_wait3A_84 = tpu.memref_squeeze %dma_wait3A_83 : memref<1x40x128xi32, #tpu.memory_space<hbm>> -> memref<40x128xi32, #tpu.memory_space<hbm>>
      tpu.wait_dma2 semaphore(%run_scoped3A : memref<!tpu.dma_semaphore, #tpu.memory_space<semaphore_mem>>) src(%dma_wait3A_84 : memref<40x128xi32, #tpu.memory_space<hbm>>) dst(%arg7 : memref<40x128xi32, #tpu.memory_space<vmem>>)
      tpu.yield
    }) : () -> ()
    "tpu.region"() ({
      %run_scoped3A = tpu.sem_alloc : memref<!tpu.dma_semaphore, #tpu.memory_space<semaphore_mem>>
      %dma_start3A_69 = arith.constant 0 : i32
      %dma_start3A_70 = arith.constant 0 : i32
      %dma_start3A_71 = tpu.memref_slice %arg4[%add3A, %dma_start3A_69, %dma_start3A_70] : memref<32x80x128xi32, #tpu.memory_space<hbm>> -> memref<1x40x128xi32, #tpu.memory_space<hbm>>
      %dma_start3A_72 = tpu.memref_squeeze %dma_start3A_71 : memref<1x40x128xi32, #tpu.memory_space<hbm>> -> memref<40x128xi32, #tpu.memory_space<hbm>>
      %dma_start3A_73 = arith.constant 0 : i32
      %dma_start3A_74 = arith.constant 0 : i32
      %dma_start3A_75 = tpu.memref_slice %arg4[%add3A, %dma_start3A_73, %dma_start3A_74] : memref<32x80x128xi32, #tpu.memory_space<hbm>> -> memref<1x40x128xi32, #tpu.memory_space<hbm>>
      %dma_start3A_76 = tpu.memref_squeeze %dma_start3A_75 : memref<1x40x128xi32, #tpu.memory_space<hbm>> -> memref<40x128xi32, #tpu.memory_space<hbm>>
      tpu.enqueue_dma source(%dma_start3A_76 : memref<40x128xi32, #tpu.memory_space<hbm>>) target(%arg8 : memref<40x128xi32, #tpu.memory_space<vmem>>) target_semaphore(%run_scoped3A : memref<!tpu.dma_semaphore, #tpu.memory_space<semaphore_mem>>)
      %dma_wait3A_77 = arith.constant 0 : i32
      %dma_wait3A_78 = arith.constant 0 : i32
      %dma_wait3A_79 = tpu.memref_slice %arg4[%add3A, %dma_wait3A_77, %dma_wait3A_78] : memref<32x80x128xi32, #tpu.memory_space<hbm>> -> memref<1x40x128xi32, #tpu.memory_space<hbm>>
      %dma_wait3A_80 = tpu.memref_squeeze %dma_wait3A_79 : memref<1x40x128xi32, #tpu.memory_space<hbm>> -> memref<40x128xi32, #tpu.memory_space<hbm>>
      %dma_wait3A_81 = arith.constant 0 : i32
      %dma_wait3A_82 = arith.constant 0 : i32
      %dma_wait3A_83 = tpu.memref_slice %arg4[%add3A, %dma_wait3A_81, %dma_wait3A_82] : memref<32x80x128xi32, #tpu.memory_space<hbm>> -> memref<1x40x128xi32, #tpu.memory_space<hbm>>
      %dma_wait3A_84 = tpu.memref_squeeze %dma_wait3A_83 : memref<1x40x128xi32, #tpu.memory_space<hbm>> -> memref<40x128xi32, #tpu.memory_space<hbm>>
      tpu.wait_dma2 semaphore(%run_scoped3A : memref<!tpu.dma_semaphore, #tpu.memory_space<semaphore_mem>>) src(%dma_wait3A_84 : memref<40x128xi32, #tpu.memory_space<hbm>>) dst(%arg8 : memref<40x128xi32, #tpu.memory_space<vmem>>)
      tpu.yield
    }) : () -> ()
    %dma_start3A = arith.constant 0 : i32
    %dma_start3A_3 = arith.constant 0 : i32
    %dma_start3A_4 = tpu.memref_slice %arg7[%dma_start3A, %dma_start3A_3] : memref<40x128xi32, #tpu.memory_space<vmem>> -> memref<1x128xi32, #tpu.memory_space<vmem>>
    %dma_start3A_5 = tpu.memref_squeeze %dma_start3A_4 : memref<1x128xi32, #tpu.memory_space<vmem>> -> memref<128xi32, #tpu.memory_space<vmem>>
    %dma_start3A_6 = arith.constant 0 : i32
    %dma_start3A_7 = arith.constant 0 : i32
    %dma_start3A_8 = tpu.memref_slice %arg2[%dma_start3A_6, %dma_start3A_7] : memref<10000x128xf32, #tpu.memory_space<hbm>> -> memref<10000x128xf32, #tpu.memory_space<hbm>>
    tpu.enqueue_indirect_dma source(%dma_start3A_8 : memref<10000x128xf32, #tpu.memory_space<hbm>>) target(%arg9 : memref<128x128xf32, #tpu.memory_space<vmem>>) offsets(%dma_start3A_5 : memref<128xi32, #tpu.memory_space<vmem>>) semaphore(%arg12 : memref<!tpu.dma_semaphore, #tpu.memory_space<semaphore_mem>>)
    %dma_start3A_9 = arith.constant 1 : i32
    %dma_start3A_10 = arith.constant 0 : i32
    %dma_start3A_11 = tpu.memref_slice %arg7[%dma_start3A_9, %dma_start3A_10] : memref<40x128xi32, #tpu.memory_space<vmem>> -> memref<1x128xi32, #tpu.memory_space<vmem>>
    %dma_start3A_12 = tpu.memref_squeeze %dma_start3A_11 : memref<1x128xi32, #tpu.memory_space<vmem>> -> memref<128xi32, #tpu.memory_space<vmem>>
    %dma_start3A_13 = arith.constant 0 : i32
    %dma_start3A_14 = arith.constant 0 : i32
    %dma_start3A_15 = tpu.memref_slice %arg2[%dma_start3A_13, %dma_start3A_14] : memref<10000x128xf32, #tpu.memory_space<hbm>> -> memref<10000x128xf32, #tpu.memory_space<hbm>>
    tpu.enqueue_indirect_dma source(%dma_start3A_15 : memref<10000x128xf32, #tpu.memory_space<hbm>>) target(%arg10 : memref<128x128xf32, #tpu.memory_space<vmem>>) offsets(%dma_start3A_12 : memref<128xi32, #tpu.memory_space<vmem>>) semaphore(%arg13 : memref<!tpu.dma_semaphore, #tpu.memory_space<semaphore_mem>>)
    %scan3A = arith.constant 0 : i32
    %scan3A_16 = arith.constant 0 : i32
    %scan3A_17 = arith.constant 20 : i32
    %scan3A_18 = arith.addi %scan3A_16, %scan3A_17 : i32
    %scan3A_19 = arith.constant 1 : i32
    scf.for %scan3A_69 = %scan3A_16 to %scan3A_18 step %scan3A_19  : i32 {
      %mul3A_70 = arith.constant 2 : i32
      %mul3A_71 = arith.muli %mul3A_70, %scan3A_69 : i32
      %dma_wait3A_72 = arith.constant 0 : i32
      %dma_wait3A_73 = tpu.memref_slice %arg7[%mul3A_71, %dma_wait3A_72] : memref<40x128xi32, #tpu.memory_space<vmem>> -> memref<1x128xi32, #tpu.memory_space<vmem>>
      %dma_wait3A_74 = tpu.memref_squeeze %dma_wait3A_73 : memref<1x128xi32, #tpu.memory_space<vmem>> -> memref<128xi32, #tpu.memory_space<vmem>>
      %dma_wait3A_75 = arith.constant 0 : i32
      %dma_wait3A_76 = arith.constant 0 : i32
      %dma_wait3A_77 = tpu.memref_slice %arg2[%dma_wait3A_75, %dma_wait3A_76] : memref<10000x128xf32, #tpu.memory_space<hbm>> -> memref<10000x128xf32, #tpu.memory_space<hbm>>
      tpu.wait_indirect_dma semaphore(%arg12 : memref<!tpu.dma_semaphore, #tpu.memory_space<semaphore_mem>>) src(%dma_wait3A_77 : memref<10000x128xf32, #tpu.memory_space<hbm>>) dst(%arg9 : memref<128x128xf32, #tpu.memory_space<vmem>>)
      "tpu.region"() ({
        %run_scoped3A = tpu.sem_alloc : memref<!tpu.dma_semaphore, #tpu.memory_space<semaphore_mem>>
        %dma_start3A_107 = arith.constant 0 : i32
        %dma_start3A_108 = tpu.memref_slice %arg8[%mul3A_71, %dma_start3A_107] : memref<40x128xi32, #tpu.memory_space<vmem>> -> memref<1x128xi32, #tpu.memory_space<vmem>>
        %dma_start3A_109 = tpu.memref_squeeze %dma_start3A_108 : memref<1x128xi32, #tpu.memory_space<vmem>> -> memref<128xi32, #tpu.memory_space<vmem>>
        %dma_start3A_110 = arith.constant 0 : i32
        %dma_start3A_111 = arith.constant 0 : i32
        %dma_start3A_112 = tpu.memref_slice %arg11[%dma_start3A_110, %dma_start3A_111] : memref<10240x128xf32, #tpu.memory_space<vmem_shared>> -> memref<10240x128xf32, #tpu.memory_space<vmem_shared>>
        tpu.enqueue_indirect_dma source(%arg9 : memref<128x128xf32, #tpu.memory_space<vmem>>) target(%dma_start3A_112 : memref<10240x128xf32, #tpu.memory_space<vmem_shared>>) offsets(%dma_start3A_109 : memref<128xi32, #tpu.memory_space<vmem>>) semaphore(%run_scoped3A : memref<!tpu.dma_semaphore, #tpu.memory_space<semaphore_mem>>) {add = true}
        %dma_wait3A_113 = arith.constant 0 : i32
        %dma_wait3A_114 = tpu.memref_slice %arg8[%mul3A_71, %dma_wait3A_113] : memref<40x128xi32, #tpu.memory_space<vmem>> -> memref<1x128xi32, #tpu.memory_space<vmem>>
        %dma_wait3A_115 = tpu.memref_squeeze %dma_wait3A_114 : memref<1x128xi32, #tpu.memory_space<vmem>> -> memref<128xi32, #tpu.memory_space<vmem>>
        %dma_wait3A_116 = arith.constant 0 : i32
        %dma_wait3A_117 = arith.constant 0 : i32
        %dma_wait3A_118 = tpu.memref_slice %arg11[%dma_wait3A_116, %dma_wait3A_117] : memref<10240x128xf32, #tpu.memory_space<vmem_shared>> -> memref<10240x128xf32, #tpu.memory_space<vmem_shared>>
        tpu.wait_indirect_dma semaphore(%run_scoped3A : memref<!tpu.dma_semaphore, #tpu.memory_space<semaphore_mem>>) src(%arg9 : memref<128x128xf32, #tpu.memory_space<vmem>>) dst(%dma_wait3A_118 : memref<10240x128xf32, #tpu.memory_space<vmem_shared>>)
        tpu.yield
      }) : () -> ()
      %add3A_78 = arith.constant 2 : i32
      %add3A_79 = arith.addi %mul3A_71, %add3A_78 : i32
      %min3A = arith.constant 39 : i32
      %min3A_80 = arith.minsi %add3A_79, %min3A : i32
      %dma_start3A_81 = arith.constant 0 : i32
      %dma_start3A_82 = tpu.memref_slice %arg7[%min3A_80, %dma_start3A_81] : memref<40x128xi32, #tpu.memory_space<vmem>> -> memref<1x128xi32, #tpu.memory_space<vmem>>
      %dma_start3A_83 = tpu.memref_squeeze %dma_start3A_82 : memref<1x128xi32, #tpu.memory_space<vmem>> -> memref<128xi32, #tpu.memory_space<vmem>>
      %dma_start3A_84 = arith.constant 0 : i32
      %dma_start3A_85 = arith.constant 0 : i32
      %dma_start3A_86 = tpu.memref_slice %arg2[%dma_start3A_84, %dma_start3A_85] : memref<10000x128xf32, #tpu.memory_space<hbm>> -> memref<10000x128xf32, #tpu.memory_space<hbm>>
      tpu.enqueue_indirect_dma source(%dma_start3A_86 : memref<10000x128xf32, #tpu.memory_space<hbm>>) target(%arg9 : memref<128x128xf32, #tpu.memory_space<vmem>>) offsets(%dma_start3A_83 : memref<128xi32, #tpu.memory_space<vmem>>) semaphore(%arg12 : memref<!tpu.dma_semaphore, #tpu.memory_space<semaphore_mem>>)
      %add3A_87 = arith.constant 1 : i32
      %add3A_88 = arith.addi %mul3A_71, %add3A_87 : i32
      %dma_wait3A_89 = arith.constant 0 : i32
      %dma_wait3A_90 = tpu.memref_slice %arg7[%add3A_88, %dma_wait3A_89] : memref<40x128xi32, #tpu.memory_space<vmem>> -> memref<1x128xi32, #tpu.memory_space<vmem>>
      %dma_wait3A_91 = tpu.memref_squeeze %dma_wait3A_90 : memref<1x128xi32, #tpu.memory_space<vmem>> -> memref<128xi32, #tpu.memory_space<vmem>>
      %dma_wait3A_92 = arith.constant 0 : i32
      %dma_wait3A_93 = arith.constant 0 : i32
      %dma_wait3A_94 = tpu.memref_slice %arg2[%dma_wait3A_92, %dma_wait3A_93] : memref<10000x128xf32, #tpu.memory_space<hbm>> -> memref<10000x128xf32, #tpu.memory_space<hbm>>
      tpu.wait_indirect_dma semaphore(%arg13 : memref<!tpu.dma_semaphore, #tpu.memory_space<semaphore_mem>>) src(%dma_wait3A_94 : memref<10000x128xf32, #tpu.memory_space<hbm>>) dst(%arg10 : memref<128x128xf32, #tpu.memory_space<vmem>>)
      %add3A_95 = arith.constant 1 : i32
      %add3A_96 = arith.addi %mul3A_71, %add3A_95 : i32
      "tpu.region"() ({
        %run_scoped3A = tpu.sem_alloc : memref<!tpu.dma_semaphore, #tpu.memory_space<semaphore_mem>>
        %dma_start3A_107 = arith.constant 0 : i32
        %dma_start3A_108 = tpu.memref_slice %arg8[%add3A_96, %dma_start3A_107] : memref<40x128xi32, #tpu.memory_space<vmem>> -> memref<1x128xi32, #tpu.memory_space<vmem>>
        %dma_start3A_109 = tpu.memref_squeeze %dma_start3A_108 : memref<1x128xi32, #tpu.memory_space<vmem>> -> memref<128xi32, #tpu.memory_space<vmem>>
        %dma_start3A_110 = arith.constant 0 : i32
        %dma_start3A_111 = arith.constant 0 : i32
        %dma_start3A_112 = tpu.memref_slice %arg11[%dma_start3A_110, %dma_start3A_111] : memref<10240x128xf32, #tpu.memory_space<vmem_shared>> -> memref<10240x128xf32, #tpu.memory_space<vmem_shared>>
        tpu.enqueue_indirect_dma source(%arg10 : memref<128x128xf32, #tpu.memory_space<vmem>>) target(%dma_start3A_112 : memref<10240x128xf32, #tpu.memory_space<vmem_shared>>) offsets(%dma_start3A_109 : memref<128xi32, #tpu.memory_space<vmem>>) semaphore(%run_scoped3A : memref<!tpu.dma_semaphore, #tpu.memory_space<semaphore_mem>>) {add = true}
        %dma_wait3A_113 = arith.constant 0 : i32
        %dma_wait3A_114 = tpu.memref_slice %arg8[%add3A_96, %dma_wait3A_113] : memref<40x128xi32, #tpu.memory_space<vmem>> -> memref<1x128xi32, #tpu.memory_space<vmem>>
        %dma_wait3A_115 = tpu.memref_squeeze %dma_wait3A_114 : memref<1x128xi32, #tpu.memory_space<vmem>> -> memref<128xi32, #tpu.memory_space<vmem>>
        %dma_wait3A_116 = arith.constant 0 : i32
        %dma_wait3A_117 = arith.constant 0 : i32
        %dma_wait3A_118 = tpu.memref_slice %arg11[%dma_wait3A_116, %dma_wait3A_117] : memref<10240x128xf32, #tpu.memory_space<vmem_shared>> -> memref<10240x128xf32, #tpu.memory_space<vmem_shared>>
        tpu.wait_indirect_dma semaphore(%run_scoped3A : memref<!tpu.dma_semaphore, #tpu.memory_space<semaphore_mem>>) src(%arg10 : memref<128x128xf32, #tpu.memory_space<vmem>>) dst(%dma_wait3A_118 : memref<10240x128xf32, #tpu.memory_space<vmem_shared>>)
        tpu.yield
      }) : () -> ()
      %add3A_97 = arith.constant 3 : i32
      %add3A_98 = arith.addi %mul3A_71, %add3A_97 : i32
      %min3A_99 = arith.constant 39 : i32
      %min3A_100 = arith.minsi %add3A_98, %min3A_99 : i32
      %dma_start3A_101 = arith.constant 0 : i32
      %dma_start3A_102 = tpu.memref_slice %arg7[%min3A_100, %dma_start3A_101] : memref<40x128xi32, #tpu.memory_space<vmem>> -> memref<1x128xi32, #tpu.memory_space<vmem>>
      %dma_start3A_103 = tpu.memref_squeeze %dma_start3A_102 : memref<1x128xi32, #tpu.memory_space<vmem>> -> memref<128xi32, #tpu.memory_space<vmem>>
      %dma_start3A_104 = arith.constant 0 : i32
      %dma_start3A_105 = arith.constant 0 : i32
      %dma_start3A_106 = tpu.memref_slice %arg2[%dma_start3A_104, %dma_start3A_105] : memref<10000x128xf32, #tpu.memory_space<hbm>> -> memref<10000x128xf32, #tpu.memory_space<hbm>>
      tpu.enqueue_indirect_dma source(%dma_start3A_106 : memref<10000x128xf32, #tpu.memory_space<hbm>>) target(%arg10 : memref<128x128xf32, #tpu.memory_space<vmem>>) offsets(%dma_start3A_103 : memref<128xi32, #tpu.memory_space<vmem>>) semaphore(%arg13 : memref<!tpu.dma_semaphore, #tpu.memory_space<semaphore_mem>>)
    }
    %scan3A_20 = arith.constant 20 : i32
    %dma_wait3A = arith.constant 39 : i32
    %dma_wait3A_21 = arith.constant 0 : i32
    %dma_wait3A_22 = tpu.memref_slice %arg7[%dma_wait3A, %dma_wait3A_21] : memref<40x128xi32, #tpu.memory_space<vmem>> -> memref<1x128xi32, #tpu.memory_space<vmem>>
    %dma_wait3A_23 = tpu.memref_squeeze %dma_wait3A_22 : memref<1x128xi32, #tpu.memory_space<vmem>> -> memref<128xi32, #tpu.memory_space<vmem>>
    %dma_wait3A_24 = arith.constant 0 : i32
    %dma_wait3A_25 = arith.constant 0 : i32
    %dma_wait3A_26 = tpu.memref_slice %arg2[%dma_wait3A_24, %dma_wait3A_25] : memref<10000x128xf32, #tpu.memory_space<hbm>> -> memref<10000x128xf32, #tpu.memory_space<hbm>>
    tpu.wait_indirect_dma semaphore(%arg12 : memref<!tpu.dma_semaphore, #tpu.memory_space<semaphore_mem>>) src(%dma_wait3A_26 : memref<10000x128xf32, #tpu.memory_space<hbm>>) dst(%arg9 : memref<128x128xf32, #tpu.memory_space<vmem>>)
    %dma_wait3A_27 = arith.constant 39 : i32
    %dma_wait3A_28 = arith.constant 0 : i32
    %dma_wait3A_29 = tpu.memref_slice %arg7[%dma_wait3A_27, %dma_wait3A_28] : memref<40x128xi32, #tpu.memory_space<vmem>> -> memref<1x128xi32, #tpu.memory_space<vmem>>
    %dma_wait3A_30 = tpu.memref_squeeze %dma_wait3A_29 : memref<1x128xi32, #tpu.memory_space<vmem>> -> memref<128xi32, #tpu.memory_space<vmem>>
    %dma_wait3A_31 = arith.constant 0 : i32
    %dma_wait3A_32 = arith.constant 0 : i32
    %dma_wait3A_33 = tpu.memref_slice %arg2[%dma_wait3A_31, %dma_wait3A_32] : memref<10000x128xf32, #tpu.memory_space<hbm>> -> memref<10000x128xf32, #tpu.memory_space<hbm>>
    tpu.wait_indirect_dma semaphore(%arg13 : memref<!tpu.dma_semaphore, #tpu.memory_space<semaphore_mem>>) src(%dma_wait3A_33 : memref<10000x128xf32, #tpu.memory_space<hbm>>) dst(%arg10 : memref<128x128xf32, #tpu.memory_space<vmem>>)
    "tpu.region"() ({
      %run_scoped3A = tpu.sem_alloc : memref<!tpu.dma_semaphore, #tpu.memory_space<semaphore_mem>>
      %dma_start3A_69 = arith.constant 40 : i32
      %dma_start3A_70 = arith.constant 0 : i32
      %dma_start3A_71 = tpu.memref_slice %arg3[%add3A, %dma_start3A_69, %dma_start3A_70] : memref<32x80x128xi32, #tpu.memory_space<hbm>> -> memref<1x40x128xi32, #tpu.memory_space<hbm>>
      %dma_start3A_72 = tpu.memref_squeeze %dma_start3A_71 : memref<1x40x128xi32, #tpu.memory_space<hbm>> -> memref<40x128xi32, #tpu.memory_space<hbm>>
      %dma_start3A_73 = arith.constant 40 : i32
      %dma_start3A_74 = arith.constant 0 : i32
      %dma_start3A_75 = tpu.memref_slice %arg3[%add3A, %dma_start3A_73, %dma_start3A_74] : memref<32x80x128xi32, #tpu.memory_space<hbm>> -> memref<1x40x128xi32, #tpu.memory_space<hbm>>
      %dma_start3A_76 = tpu.memref_squeeze %dma_start3A_75 : memref<1x40x128xi32, #tpu.memory_space<hbm>> -> memref<40x128xi32, #tpu.memory_space<hbm>>
      tpu.enqueue_dma source(%dma_start3A_76 : memref<40x128xi32, #tpu.memory_space<hbm>>) target(%arg7 : memref<40x128xi32, #tpu.memory_space<vmem>>) target_semaphore(%run_scoped3A : memref<!tpu.dma_semaphore, #tpu.memory_space<semaphore_mem>>)
      %dma_wait3A_77 = arith.constant 40 : i32
      %dma_wait3A_78 = arith.constant 0 : i32
      %dma_wait3A_79 = tpu.memref_slice %arg3[%add3A, %dma_wait3A_77, %dma_wait3A_78] : memref<32x80x128xi32, #tpu.memory_space<hbm>> -> memref<1x40x128xi32, #tpu.memory_space<hbm>>
      %dma_wait3A_80 = tpu.memref_squeeze %dma_wait3A_79 : memref<1x40x128xi32, #tpu.memory_space<hbm>> -> memref<40x128xi32, #tpu.memory_space<hbm>>
      %dma_wait3A_81 = arith.constant 40 : i32
      %dma_wait3A_82 = arith.constant 0 : i32
      %dma_wait3A_83 = tpu.memref_slice %arg3[%add3A, %dma_wait3A_81, %dma_wait3A_82] : memref<32x80x128xi32, #tpu.memory_space<hbm>> -> memref<1x40x128xi32, #tpu.memory_space<hbm>>
      %dma_wait3A_84 = tpu.memref_squeeze %dma_wait3A_83 : memref<1x40x128xi32, #tpu.memory_space<hbm>> -> memref<40x128xi32, #tpu.memory_space<hbm>>
      tpu.wait_dma2 semaphore(%run_scoped3A : memref<!tpu.dma_semaphore, #tpu.memory_space<semaphore_mem>>) src(%dma_wait3A_84 : memref<40x128xi32, #tpu.memory_space<hbm>>) dst(%arg7 : memref<40x128xi32, #tpu.memory_space<vmem>>)
      tpu.yield
    }) : () -> ()
    "tpu.region"() ({
      %run_scoped3A = tpu.sem_alloc : memref<!tpu.dma_semaphore, #tpu.memory_space<semaphore_mem>>
      %dma_start3A_69 = arith.constant 40 : i32
      %dma_start3A_70 = arith.constant 0 : i32
      %dma_start3A_71 = tpu.memref_slice %arg4[%add3A, %dma_start3A_69, %dma_start3A_70] : memref<32x80x128xi32, #tpu.memory_space<hbm>> -> memref<1x40x128xi32, #tpu.memory_space<hbm>>
      %dma_start3A_72 = tpu.memref_squeeze %dma_start3A_71 : memref<1x40x128xi32, #tpu.memory_space<hbm>> -> memref<40x128xi32, #tpu.memory_space<hbm>>
      %dma_start3A_73 = arith.constant 40 : i32
      %dma_start3A_74 = arith.constant 0 : i32
      %dma_start3A_75 = tpu.memref_slice %arg4[%add3A, %dma_start3A_73, %dma_start3A_74] : memref<32x80x128xi32, #tpu.memory_space<hbm>> -> memref<1x40x128xi32, #tpu.memory_space<hbm>>
      %dma_start3A_76 = tpu.memref_squeeze %dma_start3A_75 : memref<1x40x128xi32, #tpu.memory_space<hbm>> -> memref<40x128xi32, #tpu.memory_space<hbm>>
      tpu.enqueue_dma source(%dma_start3A_76 : memref<40x128xi32, #tpu.memory_space<hbm>>) target(%arg8 : memref<40x128xi32, #tpu.memory_space<vmem>>) target_semaphore(%run_scoped3A : memref<!tpu.dma_semaphore, #tpu.memory_space<semaphore_mem>>)
      %dma_wait3A_77 = arith.constant 40 : i32
      %dma_wait3A_78 = arith.constant 0 : i32
      %dma_wait3A_79 = tpu.memref_slice %arg4[%add3A, %dma_wait3A_77, %dma_wait3A_78] : memref<32x80x128xi32, #tpu.memory_space<hbm>> -> memref<1x40x128xi32, #tpu.memory_space<hbm>>
      %dma_wait3A_80 = tpu.memref_squeeze %dma_wait3A_79 : memref<1x40x128xi32, #tpu.memory_space<hbm>> -> memref<40x128xi32, #tpu.memory_space<hbm>>
      %dma_wait3A_81 = arith.constant 40 : i32
      %dma_wait3A_82 = arith.constant 0 : i32
      %dma_wait3A_83 = tpu.memref_slice %arg4[%add3A, %dma_wait3A_81, %dma_wait3A_82] : memref<32x80x128xi32, #tpu.memory_space<hbm>> -> memref<1x40x128xi32, #tpu.memory_space<hbm>>
      %dma_wait3A_84 = tpu.memref_squeeze %dma_wait3A_83 : memref<1x40x128xi32, #tpu.memory_space<hbm>> -> memref<40x128xi32, #tpu.memory_space<hbm>>
      tpu.wait_dma2 semaphore(%run_scoped3A : memref<!tpu.dma_semaphore, #tpu.memory_space<semaphore_mem>>) src(%dma_wait3A_84 : memref<40x128xi32, #tpu.memory_space<hbm>>) dst(%arg8 : memref<40x128xi32, #tpu.memory_space<vmem>>)
      tpu.yield
    }) : () -> ()
    %dma_start3A_34 = arith.constant 0 : i32
    %dma_start3A_35 = arith.constant 0 : i32
    %dma_start3A_36 = tpu.memref_slice %arg7[%dma_start3A_34, %dma_start3A_35] : memref<40x128xi32, #tpu.memory_space<vmem>> -> memref<1x128xi32, #tpu.memory_space<vmem>>
    %dma_start3A_37 = tpu.memref_squeeze %dma_start3A_36 : memref<1x128xi32, #tpu.memory_space<vmem>> -> memref<128xi32, #tpu.memory_space<vmem>>
    %dma_start3A_38 = arith.constant 0 : i32
    %dma_start3A_39 = arith.constant 0 : i32
    %dma_start3A_40 = tpu.memref_slice %arg2[%dma_start3A_38, %dma_start3A_39] : memref<10000x128xf32, #tpu.memory_space<hbm>> -> memref<10000x128xf32, #tpu.memory_space<hbm>>
    tpu.enqueue_indirect_dma source(%dma_start3A_40 : memref<10000x128xf32, #tpu.memory_space<hbm>>) target(%arg9 : memref<128x128xf32, #tpu.memory_space<vmem>>) offsets(%dma_start3A_37 : memref<128xi32, #tpu.memory_space<vmem>>) semaphore(%arg12 : memref<!tpu.dma_semaphore, #tpu.memory_space<semaphore_mem>>)
    %dma_start3A_41 = arith.constant 1 : i32
    %dma_start3A_42 = arith.constant 0 : i32
    %dma_start3A_43 = tpu.memref_slice %arg7[%dma_start3A_41, %dma_start3A_42] : memref<40x128xi32, #tpu.memory_space<vmem>> -> memref<1x128xi32, #tpu.memory_space<vmem>>
    %dma_start3A_44 = tpu.memref_squeeze %dma_start3A_43 : memref<1x128xi32, #tpu.memory_space<vmem>> -> memref<128xi32, #tpu.memory_space<vmem>>
    %dma_start3A_45 = arith.constant 0 : i32
    %dma_start3A_46 = arith.constant 0 : i32
    %dma_start3A_47 = tpu.memref_slice %arg2[%dma_start3A_45, %dma_start3A_46] : memref<10000x128xf32, #tpu.memory_space<hbm>> -> memref<10000x128xf32, #tpu.memory_space<hbm>>
    tpu.enqueue_indirect_dma source(%dma_start3A_47 : memref<10000x128xf32, #tpu.memory_space<hbm>>) target(%arg10 : memref<128x128xf32, #tpu.memory_space<vmem>>) offsets(%dma_start3A_44 : memref<128xi32, #tpu.memory_space<vmem>>) semaphore(%arg13 : memref<!tpu.dma_semaphore, #tpu.memory_space<semaphore_mem>>)
    %scan3A_48 = arith.constant 0 : i32
    %scan3A_49 = arith.constant 0 : i32
    %scan3A_50 = arith.constant 20 : i32
    %scan3A_51 = arith.addi %scan3A_49, %scan3A_50 : i32
    %scan3A_52 = arith.constant 1 : i32
    scf.for %scan3A_69 = %scan3A_49 to %scan3A_51 step %scan3A_52  : i32 {
      %mul3A_70 = arith.constant 2 : i32
      %mul3A_71 = arith.muli %mul3A_70, %scan3A_69 : i32
      %dma_wait3A_72 = arith.constant 0 : i32
      %dma_wait3A_73 = tpu.memref_slice %arg7[%mul3A_71, %dma_wait3A_72] : memref<40x128xi32, #tpu.memory_space<vmem>> -> memref<1x128xi32, #tpu.memory_space<vmem>>
      %dma_wait3A_74 = tpu.memref_squeeze %dma_wait3A_73 : memref<1x128xi32, #tpu.memory_space<vmem>> -> memref<128xi32, #tpu.memory_space<vmem>>
      %dma_wait3A_75 = arith.constant 0 : i32
      %dma_wait3A_76 = arith.constant 0 : i32
      %dma_wait3A_77 = tpu.memref_slice %arg2[%dma_wait3A_75, %dma_wait3A_76] : memref<10000x128xf32, #tpu.memory_space<hbm>> -> memref<10000x128xf32, #tpu.memory_space<hbm>>
      tpu.wait_indirect_dma semaphore(%arg12 : memref<!tpu.dma_semaphore, #tpu.memory_space<semaphore_mem>>) src(%dma_wait3A_77 : memref<10000x128xf32, #tpu.memory_space<hbm>>) dst(%arg9 : memref<128x128xf32, #tpu.memory_space<vmem>>)
      "tpu.region"() ({
        %run_scoped3A = tpu.sem_alloc : memref<!tpu.dma_semaphore, #tpu.memory_space<semaphore_mem>>
        %dma_start3A_107 = arith.constant 0 : i32
        %dma_start3A_108 = tpu.memref_slice %arg8[%mul3A_71, %dma_start3A_107] : memref<40x128xi32, #tpu.memory_space<vmem>> -> memref<1x128xi32, #tpu.memory_space<vmem>>
        %dma_start3A_109 = tpu.memref_squeeze %dma_start3A_108 : memref<1x128xi32, #tpu.memory_space<vmem>> -> memref<128xi32, #tpu.memory_space<vmem>>
        %dma_start3A_110 = arith.constant 0 : i32
        %dma_start3A_111 = arith.constant 0 : i32
        %dma_start3A_112 = tpu.memref_slice %arg11[%dma_start3A_110, %dma_start3A_111] : memref<10240x128xf32, #tpu.memory_space<vmem_shared>> -> memref<10240x128xf32, #tpu.memory_space<vmem_shared>>
        tpu.enqueue_indirect_dma source(%arg9 : memref<128x128xf32, #tpu.memory_space<vmem>>) target(%dma_start3A_112 : memref<10240x128xf32, #tpu.memory_space<vmem_shared>>) offsets(%dma_start3A_109 : memref<128xi32, #tpu.memory_space<vmem>>) semaphore(%run_scoped3A : memref<!tpu.dma_semaphore, #tpu.memory_space<semaphore_mem>>) {add = true}
        %dma_wait3A_113 = arith.constant 0 : i32
        %dma_wait3A_114 = tpu.memref_slice %arg8[%mul3A_71, %dma_wait3A_113] : memref<40x128xi32, #tpu.memory_space<vmem>> -> memref<1x128xi32, #tpu.memory_space<vmem>>
        %dma_wait3A_115 = tpu.memref_squeeze %dma_wait3A_114 : memref<1x128xi32, #tpu.memory_space<vmem>> -> memref<128xi32, #tpu.memory_space<vmem>>
        %dma_wait3A_116 = arith.constant 0 : i32
        %dma_wait3A_117 = arith.constant 0 : i32
        %dma_wait3A_118 = tpu.memref_slice %arg11[%dma_wait3A_116, %dma_wait3A_117] : memref<10240x128xf32, #tpu.memory_space<vmem_shared>> -> memref<10240x128xf32, #tpu.memory_space<vmem_shared>>
        tpu.wait_indirect_dma semaphore(%run_scoped3A : memref<!tpu.dma_semaphore, #tpu.memory_space<semaphore_mem>>) src(%arg9 : memref<128x128xf32, #tpu.memory_space<vmem>>) dst(%dma_wait3A_118 : memref<10240x128xf32, #tpu.memory_space<vmem_shared>>)
        tpu.yield
      }) : () -> ()
      %add3A_78 = arith.constant 2 : i32
      %add3A_79 = arith.addi %mul3A_71, %add3A_78 : i32
      %min3A = arith.constant 39 : i32
      %min3A_80 = arith.minsi %add3A_79, %min3A : i32
      %dma_start3A_81 = arith.constant 0 : i32
      %dma_start3A_82 = tpu.memref_slice %arg7[%min3A_80, %dma_start3A_81] : memref<40x128xi32, #tpu.memory_space<vmem>> -> memref<1x128xi32, #tpu.memory_space<vmem>>
      %dma_start3A_83 = tpu.memref_squeeze %dma_start3A_82 : memref<1x128xi32, #tpu.memory_space<vmem>> -> memref<128xi32, #tpu.memory_space<vmem>>
      %dma_start3A_84 = arith.constant 0 : i32
      %dma_start3A_85 = arith.constant 0 : i32
      %dma_start3A_86 = tpu.memref_slice %arg2[%dma_start3A_84, %dma_start3A_85] : memref<10000x128xf32, #tpu.memory_space<hbm>> -> memref<10000x128xf32, #tpu.memory_space<hbm>>
      tpu.enqueue_indirect_dma source(%dma_start3A_86 : memref<10000x128xf32, #tpu.memory_space<hbm>>) target(%arg9 : memref<128x128xf32, #tpu.memory_space<vmem>>) offsets(%dma_start3A_83 : memref<128xi32, #tpu.memory_space<vmem>>) semaphore(%arg12 : memref<!tpu.dma_semaphore, #tpu.memory_space<semaphore_mem>>)
      %add3A_87 = arith.constant 1 : i32
      %add3A_88 = arith.addi %mul3A_71, %add3A_87 : i32
      %dma_wait3A_89 = arith.constant 0 : i32
      %dma_wait3A_90 = tpu.memref_slice %arg7[%add3A_88, %dma_wait3A_89] : memref<40x128xi32, #tpu.memory_space<vmem>> -> memref<1x128xi32, #tpu.memory_space<vmem>>
      %dma_wait3A_91 = tpu.memref_squeeze %dma_wait3A_90 : memref<1x128xi32, #tpu.memory_space<vmem>> -> memref<128xi32, #tpu.memory_space<vmem>>
      %dma_wait3A_92 = arith.constant 0 : i32
      %dma_wait3A_93 = arith.constant 0 : i32
      %dma_wait3A_94 = tpu.memref_slice %arg2[%dma_wait3A_92, %dma_wait3A_93] : memref<10000x128xf32, #tpu.memory_space<hbm>> -> memref<10000x128xf32, #tpu.memory_space<hbm>>
      tpu.wait_indirect_dma semaphore(%arg13 : memref<!tpu.dma_semaphore, #tpu.memory_space<semaphore_mem>>) src(%dma_wait3A_94 : memref<10000x128xf32, #tpu.memory_space<hbm>>) dst(%arg10 : memref<128x128xf32, #tpu.memory_space<vmem>>)
      %add3A_95 = arith.constant 1 : i32
      %add3A_96 = arith.addi %mul3A_71, %add3A_95 : i32
      "tpu.region"() ({
        %run_scoped3A = tpu.sem_alloc : memref<!tpu.dma_semaphore, #tpu.memory_space<semaphore_mem>>
        %dma_start3A_107 = arith.constant 0 : i32
        %dma_start3A_108 = tpu.memref_slice %arg8[%add3A_96, %dma_start3A_107] : memref<40x128xi32, #tpu.memory_space<vmem>> -> memref<1x128xi32, #tpu.memory_space<vmem>>
        %dma_start3A_109 = tpu.memref_squeeze %dma_start3A_108 : memref<1x128xi32, #tpu.memory_space<vmem>> -> memref<128xi32, #tpu.memory_space<vmem>>
        %dma_start3A_110 = arith.constant 0 : i32
        %dma_start3A_111 = arith.constant 0 : i32
        %dma_start3A_112 = tpu.memref_slice %arg11[%dma_start3A_110, %dma_start3A_111] : memref<10240x128xf32, #tpu.memory_space<vmem_shared>> -> memref<10240x128xf32, #tpu.memory_space<vmem_shared>>
        tpu.enqueue_indirect_dma source(%arg10 : memref<128x128xf32, #tpu.memory_space<vmem>>) target(%dma_start3A_112 : memref<10240x128xf32, #tpu.memory_space<vmem_shared>>) offsets(%dma_start3A_109 : memref<128xi32, #tpu.memory_space<vmem>>) semaphore(%run_scoped3A : memref<!tpu.dma_semaphore, #tpu.memory_space<semaphore_mem>>) {add = true}
        %dma_wait3A_113 = arith.constant 0 : i32
        %dma_wait3A_114 = tpu.memref_slice %arg8[%add3A_96, %dma_wait3A_113] : memref<40x128xi32, #tpu.memory_space<vmem>> -> memref<1x128xi32, #tpu.memory_space<vmem>>
        %dma_wait3A_115 = tpu.memref_squeeze %dma_wait3A_114 : memref<1x128xi32, #tpu.memory_space<vmem>> -> memref<128xi32, #tpu.memory_space<vmem>>
        %dma_wait3A_116 = arith.constant 0 : i32
        %dma_wait3A_117 = arith.constant 0 : i32
        %dma_wait3A_118 = tpu.memref_slice %arg11[%dma_wait3A_116, %dma_wait3A_117] : memref<10240x128xf32, #tpu.memory_space<vmem_shared>> -> memref<10240x128xf32, #tpu.memory_space<vmem_shared>>
        tpu.wait_indirect_dma semaphore(%run_scoped3A : memref<!tpu.dma_semaphore, #tpu.memory_space<semaphore_mem>>) src(%arg10 : memref<128x128xf32, #tpu.memory_space<vmem>>) dst(%dma_wait3A_118 : memref<10240x128xf32, #tpu.memory_space<vmem_shared>>)
        tpu.yield
      }) : () -> ()
      %add3A_97 = arith.constant 3 : i32
      %add3A_98 = arith.addi %mul3A_71, %add3A_97 : i32
      %min3A_99 = arith.constant 39 : i32
      %min3A_100 = arith.minsi %add3A_98, %min3A_99 : i32
      %dma_start3A_101 = arith.constant 0 : i32
      %dma_start3A_102 = tpu.memref_slice %arg7[%min3A_100, %dma_start3A_101] : memref<40x128xi32, #tpu.memory_space<vmem>> -> memref<1x128xi32, #tpu.memory_space<vmem>>
      %dma_start3A_103 = tpu.memref_squeeze %dma_start3A_102 : memref<1x128xi32, #tpu.memory_space<vmem>> -> memref<128xi32, #tpu.memory_space<vmem>>
      %dma_start3A_104 = arith.constant 0 : i32
      %dma_start3A_105 = arith.constant 0 : i32
      %dma_start3A_106 = tpu.memref_slice %arg2[%dma_start3A_104, %dma_start3A_105] : memref<10000x128xf32, #tpu.memory_space<hbm>> -> memref<10000x128xf32, #tpu.memory_space<hbm>>
      tpu.enqueue_indirect_dma source(%dma_start3A_106 : memref<10000x128xf32, #tpu.memory_space<hbm>>) target(%arg10 : memref<128x128xf32, #tpu.memory_space<vmem>>) offsets(%dma_start3A_103 : memref<128xi32, #tpu.memory_space<vmem>>) semaphore(%arg13 : memref<!tpu.dma_semaphore, #tpu.memory_space<semaphore_mem>>)
    }
    %scan3A_53 = arith.constant 20 : i32
    %dma_wait3A_54 = arith.constant 39 : i32
    %dma_wait3A_55 = arith.constant 0 : i32
    %dma_wait3A_56 = tpu.memref_slice %arg7[%dma_wait3A_54, %dma_wait3A_55] : memref<40x128xi32, #tpu.memory_space<vmem>> -> memref<1x128xi32, #tpu.memory_space<vmem>>
    %dma_wait3A_57 = tpu.memref_squeeze %dma_wait3A_56 : memref<1x128xi32, #tpu.memory_space<vmem>> -> memref<128xi32, #tpu.memory_space<vmem>>
    %dma_wait3A_58 = arith.constant 0 : i32
    %dma_wait3A_59 = arith.constant 0 : i32
    %dma_wait3A_60 = tpu.memref_slice %arg2[%dma_wait3A_58, %dma_wait3A_59] : memref<10000x128xf32, #tpu.memory_space<hbm>> -> memref<10000x128xf32, #tpu.memory_space<hbm>>
    tpu.wait_indirect_dma semaphore(%arg12 : memref<!tpu.dma_semaphore, #tpu.memory_space<semaphore_mem>>) src(%dma_wait3A_60 : memref<10000x128xf32, #tpu.memory_space<hbm>>) dst(%arg9 : memref<128x128xf32, #tpu.memory_space<vmem>>)
    %dma_wait3A_61 = arith.constant 39 : i32
    %dma_wait3A_62 = arith.constant 0 : i32
    %dma_wait3A_63 = tpu.memref_slice %arg7[%dma_wait3A_61, %dma_wait3A_62] : memref<40x128xi32, #tpu.memory_space<vmem>> -> memref<1x128xi32, #tpu.memory_space<vmem>>
    %dma_wait3A_64 = tpu.memref_squeeze %dma_wait3A_63 : memref<1x128xi32, #tpu.memory_space<vmem>> -> memref<128xi32, #tpu.memory_space<vmem>>
    %dma_wait3A_65 = arith.constant 0 : i32
    %dma_wait3A_66 = arith.constant 0 : i32
    %dma_wait3A_67 = tpu.memref_slice %arg2[%dma_wait3A_65, %dma_wait3A_66] : memref<10000x128xf32, #tpu.memory_space<hbm>> -> memref<10000x128xf32, #tpu.memory_space<hbm>>
    tpu.wait_indirect_dma semaphore(%arg13 : memref<!tpu.dma_semaphore, #tpu.memory_space<semaphore_mem>>) src(%dma_wait3A_67 : memref<10000x128xf32, #tpu.memory_space<hbm>>) dst(%arg10 : memref<128x128xf32, #tpu.memory_space<vmem>>)
    %barrier3A_68 = arith.constant 0 : index
    tpu.barrier barrier_id(%barrier3A_68)
    "tpu.region"() ({
      %run_scoped3A = tpu.sem_alloc : memref<!tpu.dma_semaphore, #tpu.memory_space<semaphore_mem>>
      %dma_start3A_69 = arith.constant 0 : i32
      %dma_start3A_70 = tpu.memref_slice %arg6[%arg0, %mul3A_2, %dma_start3A_69] : memref<2x10240x128xf32, #tpu.memory_space<hbm>> -> memref<1x640x128xf32, #tpu.memory_space<hbm>>
      %dma_start3A_71 = tpu.memref_squeeze %dma_start3A_70 : memref<1x640x128xf32, #tpu.memory_space<hbm>> -> memref<640x128xf32, #tpu.memory_space<hbm>>
      %dma_start3A_72 = arith.constant 0 : i32
      %dma_start3A_73 = tpu.memref_slice %arg11[%mul3A_2, %dma_start3A_72] : memref<10240x128xf32, #tpu.memory_space<vmem_shared>> -> memref<640x128xf32, #tpu.memory_space<vmem_shared>>
      tpu.enqueue_dma source(%dma_start3A_73 : memref<640x128xf32, #tpu.memory_space<vmem_shared>>) target(%dma_start3A_71 : memref<640x128xf32, #tpu.memory_space<hbm>>) target_semaphore(%run_scoped3A : memref<!tpu.dma_semaphore, #tpu.memory_space<semaphore_mem>>)
      %dma_wait3A_74 = arith.constant 0 : i32
      %dma_wait3A_75 = tpu.memref_slice %arg6[%arg0, %mul3A_2, %dma_wait3A_74] : memref<2x10240x128xf32, #tpu.memory_space<hbm>> -> memref<1x640x128xf32, #tpu.memory_space<hbm>>
      %dma_wait3A_76 = tpu.memref_squeeze %dma_wait3A_75 : memref<1x640x128xf32, #tpu.memory_space<hbm>> -> memref<640x128xf32, #tpu.memory_space<hbm>>
      %dma_wait3A_77 = arith.constant 0 : i32
      %dma_wait3A_78 = tpu.memref_slice %arg11[%mul3A_2, %dma_wait3A_77] : memref<10240x128xf32, #tpu.memory_space<vmem_shared>> -> memref<640x128xf32, #tpu.memory_space<vmem_shared>>
      tpu.wait_dma2 semaphore(%run_scoped3A : memref<!tpu.dma_semaphore, #tpu.memory_space<semaphore_mem>>) src(%dma_wait3A_78 : memref<640x128xf32, #tpu.memory_space<vmem_shared>>) dst(%dma_wait3A_76 : memref<640x128xf32, #tpu.memory_space<hbm>>)
      tpu.yield
    }) : () -> ()
    return
  }
}

module attributes {stable_mosaic.version = 14 : i64} {
  func.func @body(%arg0: i32, %arg1: memref<2000x128xf32, #tpu.memory_space<vmem>>, %arg2: memref<128x128xf32, #tpu.memory_space<vmem>>, %arg3: memref<2000x128xf32, #tpu.memory_space<vmem>>) attributes {dimension_semantics = [#tpu.dimension_semantics<arbitrary>], iteration_bounds = array<i64: 5>, scalar_prefetch = 0 : i64, scratch_operands = 0 : i64, tpu.core_type = #tpu.core_type<tc>, window_params = [{transform_indices = @transform_0, window_bounds = array<i64: 2000, 128>}, {pipeline_mode = #tpu.pipeline_mode<synchronous>, transform_indices = @transform_1, window_bounds = array<i64: 128, 128>}, {transform_indices = @transform_2, window_bounds = array<i64: 2000, 128>}]} {
    %get3A = arith.constant 0 : index
    %get3A_0 = arith.constant 0 : index
    %get3A_1 = vector.load %arg1[%get3A, %get3A_0] : memref<2000x128xf32, #tpu.memory_space<vmem>>, vector<2000x128xf32>
    %get3A_2 = arith.constant 0 : index
    %get3A_3 = arith.constant 0 : index
    %get3A_4 = vector.load %arg2[%get3A_2, %get3A_3] : memref<128x128xf32, #tpu.memory_space<vmem>>, vector<128x128xf32>
    %dot_general3A = arith.constant dense<0.000000e+00> : vector<2000x128xf32>
    %dot_general3A_5 = tpu.matmul %get3A_1, %get3A_4, %dot_general3A {dimension_numbers = #tpu.dot_dimension_numbers<[1], [0], [0], [1], [0, 0, 1, 1], [], []>, transpose_lhs_hint = false} : vector<2000x128xf32>, vector<128x128xf32>, vector<2000x128xf32> -> vector<2000x128xf32>
    %swap3A = arith.constant 0 : index
    %swap3A_6 = arith.constant 0 : index
    %swap3A_7 = vector.load %arg3[%swap3A, %swap3A_6] : memref<2000x128xf32, #tpu.memory_space<vmem>>, vector<2000x128xf32>
    tpu.vector_store %arg3[%swap3A, %swap3A_6], %dot_general3A_5 {strides = array<i32>} : memref<2000x128xf32, #tpu.memory_space<vmem>>, vector<2000x128xf32>,
    return
  }
  func.func @transform_0(%arg0: i32) -> (i32, i32) {
    %c0_i32 = arith.constant 0 : i32
    %c0_i32_0 = arith.constant 0 : i32
    return %arg0, %c0_i32 : i32, i32
  }
  func.func @transform_1(%arg0: i32) -> (i32, i32) {
    %c0_i32 = arith.constant 0 : i32
    %c0_i32_0 = arith.constant 0 : i32
    %c0_i32_1 = arith.constant 0 : i32
    return %c0_i32, %c0_i32_0 : i32, i32
  }
  func.func @transform_2(%arg0: i32) -> (i32, i32) {
    %c0_i32 = arith.constant 0 : i32
    %c0_i32_0 = arith.constant 0 : i32
    return %arg0, %c0_i32 : i32, i32
  }
}

module attributes {stable_mosaic.version = 14 : i64} {
  func.func @body(%arg0: i32, %arg1: memref<2000x128xf32, #tpu.memory_space<vmem>>, %arg2: memref<1x2000x128xf32, #tpu.memory_space<vmem>>, %arg3: memref<1x2000x128xf32, #tpu.memory_space<vmem>>, %arg4: memref<2000x128xf32, #tpu.memory_space<vmem>>, %arg5: memref<2000x1xf32, #tpu.memory_space<vmem>>) attributes {dimension_semantics = [#tpu.dimension_semantics<arbitrary>], iteration_bounds = array<i64: 5>, scalar_prefetch = 0 : i64, scratch_operands = 0 : i64, tpu.core_type = #tpu.core_type<tc>, window_params = [{transform_indices = @transform_0, window_bounds = array<i64: 2000, 128>}, {transform_indices = @transform_1, window_bounds = array<i64: 1, 2000, 128>}, {transform_indices = @transform_2, window_bounds = array<i64: 1, 2000, 128>}, {transform_indices = @transform_3, window_bounds = array<i64: 2000, 128>}, {transform_indices = @transform_4, window_bounds = array<i64: 2000, 1>}]} {
    %get3A = arith.constant 0 : index
    %get3A_0 = arith.constant 0 : index
    %get3A_1 = arith.constant 0 : index
    %get3A_2 = vector.load %arg2[%get3A, %get3A_0, %get3A_1] : memref<1x2000x128xf32, #tpu.memory_space<vmem>>, vector<1x2000x1xf32>
    %get3A_3 = vector.shape_cast %get3A_2 : vector<1x2000x1xf32> to vector<2000x1xf32>
    %add3A = arith.constant 1.000000e+00 : f32
    %add3A_4 = vector.broadcast %add3A : f32 to vector<2000x1xf32>
    %add3A_5 = arith.addf %add3A_4, %get3A_3 : vector<2000x1xf32>
    %get3A_6 = arith.constant 0 : index
    %get3A_7 = arith.constant 0 : index
    %get3A_8 = arith.constant 0 : index
    %get3A_9 = vector.load %arg3[%get3A_6, %get3A_7, %get3A_8] : memref<1x2000x128xf32, #tpu.memory_space<vmem>>, vector<1x2000x1xf32>
    %get3A_10 = vector.shape_cast %get3A_9 : vector<1x2000x1xf32> to vector<2000x1xf32>
    %add3A_11 = arith.addf %add3A_5, %get3A_10 : vector<2000x1xf32>
    %rsqrt3A = math.rsqrt %add3A_11 : vector<2000x1xf32>
    %get3A_12 = arith.constant 0 : index
    %get3A_13 = arith.constant 0 : index
    %get3A_14 = vector.load %arg1[%get3A_12, %get3A_13] : memref<2000x128xf32, #tpu.memory_space<vmem>>, vector<2000x128xf32>
    %mul3A = vector.broadcast %rsqrt3A : vector<2000x1xf32> to vector<2000x128xf32>
    %mul3A_15 = arith.mulf %get3A_14, %mul3A : vector<2000x128xf32>
    %swap3A = arith.constant 0 : index
    %swap3A_16 = arith.constant 0 : index
    %swap3A_17 = vector.load %arg4[%swap3A, %swap3A_16] : memref<2000x128xf32, #tpu.memory_space<vmem>>, vector<2000x128xf32>
    tpu.vector_store %arg4[%swap3A, %swap3A_16], %mul3A_15 {strides = array<i32>} : memref<2000x128xf32, #tpu.memory_space<vmem>>, vector<2000x128xf32>,
    %swap3A_18 = arith.constant 0 : index
    %swap3A_19 = arith.constant 0 : index
    %swap3A_20 = vector.load %arg5[%swap3A_18, %swap3A_19] : memref<2000x1xf32, #tpu.memory_space<vmem>>, vector<2000x1xf32>
    tpu.vector_store %arg5[%swap3A_18, %swap3A_19], %rsqrt3A {strides = array<i32>} : memref<2000x1xf32, #tpu.memory_space<vmem>>, vector<2000x1xf32>,
    return
  }
  func.func @transform_0(%arg0: i32) -> (i32, i32) {
    %c0_i32 = arith.constant 0 : i32
    %c0_i32_0 = arith.constant 0 : i32
    return %arg0, %c0_i32 : i32, i32
  }
  func.func @transform_1(%arg0: i32) -> (i32, i32, i32) {
    %c0_i32 = arith.constant 0 : i32
    %c0_i32_0 = arith.constant 0 : i32
    %c0_i32_1 = arith.constant 0 : i32
    return %c0_i32, %arg0, %c0_i32_0 : i32, i32, i32
  }
  func.func @transform_2(%arg0: i32) -> (i32, i32, i32) {
    %c1_i32 = arith.constant 1 : i32
    %c0_i32 = arith.constant 0 : i32
    %c0_i32_0 = arith.constant 0 : i32
    return %c1_i32, %arg0, %c0_i32 : i32, i32, i32
  }
  func.func @transform_3(%arg0: i32) -> (i32, i32) {
    %c0_i32 = arith.constant 0 : i32
    %c0_i32_0 = arith.constant 0 : i32
    return %arg0, %c0_i32 : i32, i32
  }
  func.func @transform_4(%arg0: i32) -> (i32, i32) {
    %c0_i32 = arith.constant 0 : i32
    %c0_i32_0 = arith.constant 0 : i32
    return %arg0, %c0_i32 : i32, i32
  }
}

module attributes {stable_mosaic.version = 14 : i64} {
  func.func @body(%arg0: i32, %arg1: memref<1x2000x128xf32, #tpu.memory_space<vmem>>, %arg2: memref<1x2000x128xf32, #tpu.memory_space<vmem>>, %arg3: memref<2000x128xf32, #tpu.memory_space<vmem>>, %arg4: memref<2000x1xf32, #tpu.memory_space<vmem>>, %arg5: memref<1x128xf32, #tpu.memory_space<vmem>>, %arg6: memref<128x128xf32, #tpu.memory_space<vmem>>, %arg7: memref<2000x128xf32, #tpu.memory_space<vmem>>) attributes {dimension_semantics = [#tpu.dimension_semantics<arbitrary>], iteration_bounds = array<i64: 5>, scalar_prefetch = 0 : i64, scratch_operands = 0 : i64, tpu.core_type = #tpu.core_type<tc>, window_params = [{transform_indices = @transform_0, window_bounds = array<i64: 1, 2000, 128>}, {transform_indices = @transform_1, window_bounds = array<i64: 1, 2000, 128>}, {transform_indices = @transform_2, window_bounds = array<i64: 2000, 128>}, {transform_indices = @transform_3, window_bounds = array<i64: 2000, 1>}, {pipeline_mode = #tpu.pipeline_mode<synchronous>, transform_indices = @transform_4, window_bounds = array<i64: 1, 128>}, {pipeline_mode = #tpu.pipeline_mode<synchronous>, transform_indices = @transform_5, window_bounds = array<i64: 128, 128>}, {transform_indices = @transform_6, window_bounds = array<i64: 2000, 128>}]} {
    %get3A = arith.constant 0 : index
    %get3A_0 = arith.constant 0 : index
    %get3A_1 = vector.load %arg4[%get3A, %get3A_0] : memref<2000x1xf32, #tpu.memory_space<vmem>>, vector<2000x1xf32>
    %get3A_2 = arith.constant 0 : index
    %get3A_3 = arith.constant 0 : index
    %get3A_4 = arith.constant 0 : index
    %get3A_5 = vector.load %arg1[%get3A_2, %get3A_3, %get3A_4] : memref<1x2000x128xf32, #tpu.memory_space<vmem>>, vector<1x2000x128xf32>
    %get3A_6 = vector.shape_cast %get3A_5 : vector<1x2000x128xf32> to vector<2000x128xf32>
    %get3A_7 = arith.constant 0 : index
    %get3A_8 = arith.constant 0 : index
    %get3A_9 = arith.constant 0 : index
    %get3A_10 = vector.load %arg2[%get3A_7, %get3A_8, %get3A_9] : memref<1x2000x128xf32, #tpu.memory_space<vmem>>, vector<1x2000x128xf32>
    %get3A_11 = vector.shape_cast %get3A_10 : vector<1x2000x128xf32> to vector<2000x128xf32>
    %add3A = arith.addf %get3A_6, %get3A_11 : vector<2000x128xf32>
    %get3A_12 = arith.constant 0 : index
    %get3A_13 = arith.constant 0 : index
    %get3A_14 = vector.load %arg3[%get3A_12, %get3A_13] : memref<2000x128xf32, #tpu.memory_space<vmem>>, vector<2000x128xf32>
    %add3A_15 = arith.addf %add3A, %get3A_14 : vector<2000x128xf32>
    %mul3A = vector.broadcast %get3A_1 : vector<2000x1xf32> to vector<2000x128xf32>
    %mul3A_16 = arith.mulf %mul3A, %add3A_15 : vector<2000x128xf32>
    %get3A_17 = arith.constant 0 : index
    %get3A_18 = arith.constant 0 : index
    %get3A_19 = vector.load %arg5[%get3A_17, %get3A_18] : memref<1x128xf32, #tpu.memory_space<vmem>>, vector<1x128xf32>
    %add3A_20 = vector.broadcast %get3A_19 : vector<1x128xf32> to vector<2000x128xf32>
    %add3A_21 = arith.addf %mul3A_16, %add3A_20 : vector<2000x128xf32>
    %max3A = arith.constant 0.000000e+00 : f32
    %max3A_22 = vector.broadcast %max3A : f32 to vector<2000x128xf32>
    %max3A_23 = arith.maximumf %add3A_21, %max3A_22 : vector<2000x128xf32>
    %get3A_24 = arith.constant 0 : index
    %get3A_25 = arith.constant 0 : index
    %get3A_26 = vector.load %arg6[%get3A_24, %get3A_25] : memref<128x128xf32, #tpu.memory_space<vmem>>, vector<128x128xf32>
    %dot_general3A = arith.constant dense<0.000000e+00> : vector<2000x128xf32>
    %dot_general3A_27 = tpu.matmul %max3A_23, %get3A_26, %dot_general3A {dimension_numbers = #tpu.dot_dimension_numbers<[1], [0], [0], [1], [0, 0, 1, 1], [], []>, transpose_lhs_hint = false} : vector<2000x128xf32>, vector<128x128xf32>, vector<2000x128xf32> -> vector<2000x128xf32>
    %mul3A_28 = vector.broadcast %get3A_1 : vector<2000x1xf32> to vector<2000x128xf32>
    %mul3A_29 = arith.mulf %dot_general3A_27, %mul3A_28 : vector<2000x128xf32>
    %swap3A = arith.constant 0 : index
    %swap3A_30 = arith.constant 0 : index
    %swap3A_31 = vector.load %arg7[%swap3A, %swap3A_30] : memref<2000x128xf32, #tpu.memory_space<vmem>>, vector<2000x128xf32>
    tpu.vector_store %arg7[%swap3A, %swap3A_30], %mul3A_29 {strides = array<i32>} : memref<2000x128xf32, #tpu.memory_space<vmem>>, vector<2000x128xf32>,
    return
  }
  func.func @transform_0(%arg0: i32) -> (i32, i32, i32) {
    %c0_i32 = arith.constant 0 : i32
    %c0_i32_0 = arith.constant 0 : i32
    %c0_i32_1 = arith.constant 0 : i32
    return %c0_i32, %arg0, %c0_i32_0 : i32, i32, i32
  }
  func.func @transform_1(%arg0: i32) -> (i32, i32, i32) {
    %c1_i32 = arith.constant 1 : i32
    %c0_i32 = arith.constant 0 : i32
    %c0_i32_0 = arith.constant 0 : i32
    return %c1_i32, %arg0, %c0_i32 : i32, i32, i32
  }
  func.func @transform_2(%arg0: i32) -> (i32, i32) {
    %c0_i32 = arith.constant 0 : i32
    %c0_i32_0 = arith.constant 0 : i32
    return %arg0, %c0_i32 : i32, i32
  }
  func.func @transform_3(%arg0: i32) -> (i32, i32) {
    %c0_i32 = arith.constant 0 : i32
    %c0_i32_0 = arith.constant 0 : i32
    return %arg0, %c0_i32 : i32, i32
  }
  func.func @transform_4(%arg0: i32) -> (i32, i32) {
    %c0_i32 = arith.constant 0 : i32
    %c0_i32_0 = arith.constant 0 : i32
    %c0_i32_1 = arith.constant 0 : i32
    return %c0_i32, %c0_i32_0 : i32, i32
  }
  func.func @transform_5(%arg0: i32) -> (i32, i32) {
    %c0_i32 = arith.constant 0 : i32
    %c0_i32_0 = arith.constant 0 : i32
    %c0_i32_1 = arith.constant 0 : i32
    return %c0_i32, %c0_i32_0 : i32, i32
  }
  func.func @transform_6(%arg0: i32) -> (i32, i32) {
    %c0_i32 = arith.constant 0 : i32
    %c0_i32_0 = arith.constant 0 : i32
    return %arg0, %c0_i32 : i32, i32
  }
}

module attributes {stable_mosaic.version = 14 : i64} {
  func.func @body(%arg0: i32, %arg1: memref<1x2000x128xf32, #tpu.memory_space<vmem>>, %arg2: memref<1x2000x128xf32, #tpu.memory_space<vmem>>, %arg3: memref<2000x128xf32, #tpu.memory_space<vmem>>, %arg4: memref<2000x1xf32, #tpu.memory_space<vmem>>, %arg5: memref<1x128xf32, #tpu.memory_space<vmem>>, %arg6: memref<2000x128xf32, #tpu.memory_space<vmem>>) attributes {dimension_semantics = [#tpu.dimension_semantics<arbitrary>], iteration_bounds = array<i64: 5>, scalar_prefetch = 0 : i64, scratch_operands = 0 : i64, tpu.core_type = #tpu.core_type<tc>, window_params = [{transform_indices = @transform_0, window_bounds = array<i64: 1, 2000, 128>}, {transform_indices = @transform_1, window_bounds = array<i64: 1, 2000, 128>}, {transform_indices = @transform_2, window_bounds = array<i64: 2000, 128>}, {transform_indices = @transform_3, window_bounds = array<i64: 2000, 1>}, {pipeline_mode = #tpu.pipeline_mode<synchronous>, transform_indices = @transform_4, window_bounds = array<i64: 1, 128>}, {transform_indices = @transform_5, window_bounds = array<i64: 2000, 128>}]} {
    %get3A = arith.constant 0 : index
    %get3A_0 = arith.constant 0 : index
    %get3A_1 = vector.load %arg4[%get3A, %get3A_0] : memref<2000x1xf32, #tpu.memory_space<vmem>>, vector<2000x1xf32>
    %get3A_2 = arith.constant 0 : index
    %get3A_3 = arith.constant 0 : index
    %get3A_4 = arith.constant 0 : index
    %get3A_5 = vector.load %arg1[%get3A_2, %get3A_3, %get3A_4] : memref<1x2000x128xf32, #tpu.memory_space<vmem>>, vector<1x2000x128xf32>
    %get3A_6 = vector.shape_cast %get3A_5 : vector<1x2000x128xf32> to vector<2000x128xf32>
    %get3A_7 = arith.constant 0 : index
    %get3A_8 = arith.constant 0 : index
    %get3A_9 = arith.constant 0 : index
    %get3A_10 = vector.load %arg2[%get3A_7, %get3A_8, %get3A_9] : memref<1x2000x128xf32, #tpu.memory_space<vmem>>, vector<1x2000x128xf32>
    %get3A_11 = vector.shape_cast %get3A_10 : vector<1x2000x128xf32> to vector<2000x128xf32>
    %add3A = arith.addf %get3A_6, %get3A_11 : vector<2000x128xf32>
    %get3A_12 = arith.constant 0 : index
    %get3A_13 = arith.constant 0 : index
    %get3A_14 = vector.load %arg3[%get3A_12, %get3A_13] : memref<2000x128xf32, #tpu.memory_space<vmem>>, vector<2000x128xf32>
    %add3A_15 = arith.addf %add3A, %get3A_14 : vector<2000x128xf32>
    %mul3A = vector.broadcast %get3A_1 : vector<2000x1xf32> to vector<2000x128xf32>
    %mul3A_16 = arith.mulf %mul3A, %add3A_15 : vector<2000x128xf32>
    %get3A_17 = arith.constant 0 : index
    %get3A_18 = arith.constant 0 : index
    %get3A_19 = vector.load %arg5[%get3A_17, %get3A_18] : memref<1x128xf32, #tpu.memory_space<vmem>>, vector<1x128xf32>
    %add3A_20 = vector.broadcast %get3A_19 : vector<1x128xf32> to vector<2000x128xf32>
    %add3A_21 = arith.addf %mul3A_16, %add3A_20 : vector<2000x128xf32>
    %max3A = arith.constant 0.000000e+00 : f32
    %max3A_22 = vector.broadcast %max3A : f32 to vector<2000x128xf32>
    %max3A_23 = arith.maximumf %add3A_21, %max3A_22 : vector<2000x128xf32>
    %swap3A = arith.constant 0 : index
    %swap3A_24 = arith.constant 0 : index
    %swap3A_25 = vector.load %arg6[%swap3A, %swap3A_24] : memref<2000x128xf32, #tpu.memory_space<vmem>>, vector<2000x128xf32>
    tpu.vector_store %arg6[%swap3A, %swap3A_24], %max3A_23 {strides = array<i32>} : memref<2000x128xf32, #tpu.memory_space<vmem>>, vector<2000x128xf32>,
    return
  }
  func.func @transform_0(%arg0: i32) -> (i32, i32, i32) {
    %c0_i32 = arith.constant 0 : i32
    %c0_i32_0 = arith.constant 0 : i32
    %c0_i32_1 = arith.constant 0 : i32
    return %c0_i32, %arg0, %c0_i32_0 : i32, i32, i32
  }
  func.func @transform_1(%arg0: i32) -> (i32, i32, i32) {
    %c1_i32 = arith.constant 1 : i32
    %c0_i32 = arith.constant 0 : i32
    %c0_i32_0 = arith.constant 0 : i32
    return %c1_i32, %arg0, %c0_i32 : i32, i32, i32
  }
  func.func @transform_2(%arg0: i32) -> (i32, i32) {
    %c0_i32 = arith.constant 0 : i32
    %c0_i32_0 = arith.constant 0 : i32
    return %arg0, %c0_i32 : i32, i32
  }
  func.func @transform_3(%arg0: i32) -> (i32, i32) {
    %c0_i32 = arith.constant 0 : i32
    %c0_i32_0 = arith.constant 0 : i32
    return %arg0, %c0_i32 : i32, i32
  }
  func.func @transform_4(%arg0: i32) -> (i32, i32) {
    %c0_i32 = arith.constant 0 : i32
    %c0_i32_0 = arith.constant 0 : i32
    %c0_i32_1 = arith.constant 0 : i32
    return %c0_i32, %c0_i32_0 : i32, i32
  }
  func.func @transform_5(%arg0: i32) -> (i32, i32) {
    %c0_i32 = arith.constant 0 : i32
    %c0_i32_0 = arith.constant 0 : i32
    return %arg0, %c0_i32 : i32, i32
  }
}

</mosaic_0001>

<sc_bundles>
// kernel: kernel.12.cloned.1.call-start
scs
__scs_entry_jumppad:
0x0: {  	(pc) =	sbr.rel $0x88, $3  }
0x1: {  	(tag) =	ssettag $0x0;
	lr =	simm.s32 $0x1  }
0x2: {  	[smem:$0x3F9B] =	sst lr;
	_ =	strace $0xD0000000  }
0x3: {  	_ = 	snop  }
0x4: {  	_ = 	snop  }
0x5: {  	_ = 	snop  }
0x6: {  	_ = 	snop  }
0x7: {  	_ = 	snop  }
__scs_overlays_trampoline_lowered:
0x8: {  	[smem:$0x3FAA] =	sst s0  }
0x9: {  	[smem:$0x3FAB] =	sst s1  }
0xa: {  	[smem:$0x3FAC] =	sst s2  }
0xb: {  	[smem:$0x3FAD] =	sst s3  }
0xc: {  	[smem:$0x3FAE] =	sst s4  }
0xd: {  	[smem:$0x3FAF] =	sst s5  }
0xe: {  	[smem:$0x3FB0] =	sst s6  }
0xf: {  	[smem:$0x3FB1] =	sst s7  }
0x10: {  	[smem:$0x3FB2] =	sst s8  }
0x11: {  	[smem:$0x3FB3] =	sst s9;
	s0 =	simm.s32 @!p0 $0x0  }
0x12: {  	s1 =	sld [smem:$0x3F99];
	s0 =	simm.s32 @p0 $0x1  }
0x13: {  	[smem:$0x3FB4] =	sst s0;
	s0 =	simm.s32 @!p1 $0x0  }
0x14: {  	s2 =	sld [smem:$0x3F98];
	s0 =	simm.s32 @p1 $0x1  }
0x15: {  	[smem:$0x3FB5] =	sst s0;
	s0 =	simm.s32 @!p2 $0x0  }
0x16: {  	s3 =	sld [smem:$0x3FDB];
	s0 =	simm.s32 @p2 $0x1  }
0x17: {  	s4 =	simm.s32 $0x1BF5;
	[smem:$0x3FB7] =	sst s0  }
0x18: {  	s0 =	sld [smem:$0x3F9A];
	_ =	swait.ge [sflag:s4], $0x0  }
0x19: {  	s7 =	sld [smem:$0x3F9B]  }
0x1a: {  	s8 =	sadd.s32 $0xFFFFE003, lr  }
0x1b: {  	s9 =	sadd.s32 $0xFFFFFEF7, lr;
	s5 =	simm.s32 $0xFFFFFFFF;
	p2 =	slt.u32 s8, $0xFFFFF086  }
0x1c: {  	p1 =	slt.u32 s9, $0xF7A;
	s5 =	simm.s32 @!p2 $0x0  }
0x1d: {  	s5 =	simm.s32 @p1 $0x1;
	p0 =	seq.s32 s7, s2  }
0x1e: {  	s7 =	smul.u32 @!p0 $0xF7A, s2;
	p2 =	seq.s32 @!p0 s5, $0x0  }
0x1f: {  	s9 =	smul.u32 $0xF7A, s1;
	s8 =	simm.s32 @!p0 $0x1BF5;
	p2 =	por !p2, p0  }
0x20: {  	[sflag:s8] =	ssyncset.s32 @!p0 $0xFFFFF086;
	s6 =	sadd.s32 @!p0 s3, s7;
	s7 =	simm.s32 @!p0 $0x108  }
0x21: {  	s3 =	sadd.s32 s3, s9;
	s6 =	sadd.s32 @!p0 $0x88, s6;
	s7 =	simm.s32 @p2 $0x1082  }
0x22: {  	[simem:s7], [sflag:s8] =	dma.local @!p0 [hbm:s6], $0xF7A  }
0x23: {  	s9 =	sor.u32 $0xD0000000, s2;
	s6 =	simm.s32 $0x108;
	_ =	swait.ge @!p0 [sflag:s8], $0x0  }
0x24: {  	s3 =	sadd.s32 $0x88, s3;
	s6 =	simm.s32 @!p1 $0x1082;
	[sflag:s4] =	ssyncset.s32 $0xFFFFF086  }
0x25: {  	[simem:s6], [sflag:s4] =	dma.local [hbm:s3], $0xF7A  }
0x26: {  	[smem:$0x3F9B] =	sst s1;
	(tag) =	ssettag s2;
	_ =	strace s9  }
0x27: {  	s1 =	sld [smem:$0x3FAB]  }
0x28: {  	s2 =	sld [smem:$0x3FAC]  }
0x29: {  	s4 =	sld [smem:$0x3FAE]  }
0x2a: {  	p0 =	seq.s32 s5, $0x0;
	s5 =	sld [smem:$0x3FAF]  }
0x2b: {  	s6 =	sld [smem:$0x3FB0]  }
0x2c: {  	s7 =	sld [smem:$0x3FB1]  }
0x2d: {  	s3 =	simm.s32 $0x108;
	s8 =	sld [smem:$0x3FB2]  }
0x2e: {  	s3 =	simm.s32 @!p0 $0x1082;
	s9 =	sld [smem:$0x3FB3]  }
0x2f: {  	lr =	sadd.s32 s0, s3;
	s0 =	sld [smem:$0x3FAA]  }
0x30: {  	s3 =	sld [smem:$0x3FAD]  }
0x31: {  	[smem:$0x3FB6] =	sst s10  }
0x32: {  	s10 =	sld [smem:$0x3FB4];
	_ =	sdelay $0x3  }
0x33: {  	p0 =	seq.s32 s10, $0x1;
	s10 =	sld [smem:$0x3FB6];
	_ =	sdelay $0x3  }
0x34: {  	[smem:$0x3FB6] =	sst s10  }
0x35: {  	s10 =	sld [smem:$0x3FB5];
	_ =	sdelay $0x3  }
0x36: {  	p1 =	seq.s32 s10, $0x1;
	s10 =	sld [smem:$0x3FB6];
	_ =	sdelay $0x3  }
0x37: {  	[smem:$0x3FB6] =	sst s10  }
0x38: {  	s10 =	sld [smem:$0x3FB7]  }
0x39: {  	_ = 	snop;
	(pc) =	sbr.ind lr, $3  }
0x3a: {  	_ = 	snop  }
0x3b: {  	_ = 	snop  }
0x3c: {  	p2 =	seq.s32 s10, $0x1;
	s10 =	sld [smem:$0x3FB6]  }
0x3d: {  	_ =	shalt  }
0x3e: {  	_ =	shalt  }
0x3f: {  	_ =	shalt  }
0x40: {  	_ =	shalt  }
0x41: {  	_ =	shalt  }
0x42: {  	_ =	shalt  }
0x43: {  	_ =	shalt  }
0x44: {  	_ =	shalt  }
0x45: {  	_ =	shalt  }
0x46: {  	_ =	shalt  }
0x47: {  	_ =	shalt  }
0x48: {  	_ =	shalt  }
0x49: {  	_ =	shalt  }
0x4a: {  	_ =	shalt  }
0x4b: {  	_ =	shalt  }
0x4c: {  	_ =	shalt  }
0x4d: {  	_ =	shalt  }
0x4e: {  	_ =	shalt  }
0x4f: {  	_ =	shalt  }
0x50: {  	_ =	shalt  }
0x51: {  	_ =	shalt  }
0x52: {  	_ =	shalt  }
0x53: {  	_ =	shalt  }
0x54: {  	_ =	shalt  }
0x55: {  	_ =	shalt  }
0x56: {  	_ =	shalt  }
0x57: {  	_ =	shalt  }
0x58: {  	_ =	shalt  }
0x59: {  	_ =	shalt  }
0x5a: {  	_ =	shalt  }
0x5b: {  	_ =	shalt  }
0x5c: {  	_ =	shalt  }
0x5d: {  	_ =	shalt  }
0x5e: {  	_ =	shalt  }
0x5f: {  	_ =	shalt  }
0x60: {  	_ =	shalt  }
0x61: {  	_ =	shalt  }
0x62: {  	_ =	shalt  }
0x63: {  	_ =	shalt  }
0x64: {  	_ =	shalt  }
0x65: {  	_ =	shalt  }
0x66: {  	_ =	shalt  }
0x67: {  	_ =	shalt  }
0x68: {  	_ =	shalt  }
0x69: {  	_ =	shalt  }
0x6a: {  	_ =	shalt  }
0x6b: {  	_ =	shalt  }
0x6c: {  	_ =	shalt  }
0x6d: {  	_ =	shalt  }
0x6e: {  	_ =	shalt  }
0x6f: {  	_ =	shalt  }
0x70: {  	_ =	shalt  }
0x71: {  	_ =	shalt  }
0x72: {  	_ =	shalt  }
0x73: {  	_ =	shalt  }
0x74: {  	_ =	shalt  }
0x75: {  	_ =	shalt  }
0x76: {  	_ =	shalt  }
0x77: {  	_ =	shalt  }
0x78: {  	_ =	shalt  }
0x79: {  	_ =	shalt  }
0x7a: {  	_ =	shalt  }
0x7b: {  	_ =	shalt  }
0x7c: {  	_ =	shalt  }
0x7d: {  	_ =	shalt  }
0x7e: {  	_ =	shalt  }
0x7f: {  	_ =	shalt  }
0x80: {  	_ =	shalt  }
0x81: {  	_ =	shalt  }
0x82: {  	_ =	shalt  }
0x83: {  	_ =	shalt  }
0x84: {  	_ =	shalt  }
0x85: {  	_ =	shalt  }
0x86: {  	_ =	shalt  }
0x87: {  	_ =	shalt  }
.Lfunc_end0:
.L_simem_size_0:
called_computation.1_lowered:
.L_overlay_start_0:
0x88: {  	s2 =	sld [smem:$0x3FD9]  }
0x89: {  	s3 =	sld [smem:$0x3FFE];
	_ =	sdelay $0x1  }
0x8a: {  	s1 =	srdreg.scid  }
0x8b: {  	s0 =	sand.u32 $0x1, s1  }
0x8c: {  	s17 =	sshll.u32 s0, $0xA;
	s2 =	sadd.s32 s3, s2  }
0x8d: {  	s2 =	sadd.s32 s2, s17  }
0x8e: {  	[smem:$0x3FC2] =	sst s2  }
0x8f: {  	_ = 	snop  }
0x90: {  	s2 =	sld [smem:$0x3FD0];
	(tm) =	ssettm $0x1  }
0x91: {  	s18 =	sld [smem:$0x3FFB];
	_ =	sdelay $0x3  }
0x92: {  	_ =	strace s18  }
0x93: {  	s3 =	sld [smem:$0x3FFC];
	_ =	sdelay $0x3  }
0x94: {  	_ =	strace s3  }
0x95: {  	s3 =	sld [smem:$0x3FFD];
	_ =	sdelay $0x3  }
0x96: {  	_ =	strace s3  }
0x97: {  	_ =	strace $0x8FFFFFFF  }
0x98: {  	s19 =	sld [smem:$0x3FDB];
	_ =	sdelay $0x1  }
0x99: {  	s4 =	simm.s32 $_scs_section_size  }
0x9a: {  	s5 =	simm.s32 $_size__tile_overlayer_lowered;
	s6 =	simm.s32 $_tile_overlayer_lowered  }
0x9b: {  	s22 =	simm.s32 $0x1BFF;
	s21 =	sshll.u32 s6, $0x1;
	s3 =	sadd.s32 s4, s19  }
0x9c: {  	s7 =	simm.s32 $0x0;
	s20 =	sshll.u32 s5, $0x1;
	s5 =	sadd.s32 s21, s3  }
0x9d: {  	[timem:s7], [sflag:s22] =	dma.local [hbm:s5], s20  }
0x9e: {  	_ =	swait.ge [sflag:s22], s20  }
0x9f: {  	s4 =	ssub.s32 $0x0, s20;
	[sflag:s22] =	ssyncset.done $0x0  }
0xa0: {  	[sflag:s22] =	ssyncadd.s32 s4;
	_ =	sdelay $0x1  }
0xa1: {  	s23 =	simm.s32 $0x1B8B  }
0xa2: {  	_ =	swait.ge [sflag:s23], $0x1  }
0xa3: {  	[sflag:s23] =	ssyncset.done $0x0  }
0xa4: {  	s25 =	simm.s32 $0x1B8E;
	s24 =	sld [smem:$0x3FFE];
	[sflag:s23] =	ssyncadd.s32 $0xFFFFFFFF  }
0xa5: {  	s26 =	simm.s32 $execute0_lowered;
	[smem:$0x3FD2] =	sst s25  }
0xa6: {  	s5 =	sshll.u32 s26, $0x1;
	_ =	strace $0x80000049;
	[dreg:$0x1] =	wrdreg $0xFFFFFFFF  }
0xa7: {  	s28 =	simm.s32 $_size_execute0_lowered;
	s3 =	sadd.s32 s3, s5;
	[dreg:$0x0] =	wrdreg $0x0  }
0xa8: {  	s5 =	sshll.u32 s28, $0x1;
	[dreg:$0x2] =	wrdreg s3  }
0xa9: {  	[dreg:$0x3] =	wrdreg s5  }
0xaa: {  	[dreg:$0x4] =	wrdreg $0xC0  }
0xab: {  	_ =	task [dreg:s7], $0x5FFFF  }
0xac: {  	[dreg:$0x1] =	wrdreg $0xFFFFFFFF  }
0xad: {  	[dreg:$0x0] =	wrdreg $0x60  }
0xae: {  	[dreg:$0x2] =	wrdreg s2  }
0xaf: {  	[dreg:$0x3] =	wrdreg s24  }
0xb0: {  	[dreg:$0x4] =	wrdreg $0xA8000  }
0xb1: {  	[dreg:$0x5] =	wrdreg $0x9  }
0xb2: {  	_ =	task.clear_ibuf [dreg:s7], $0x6FFFF;
	_ =	strace $0x90000049  }
0xb3: {  	s29 =	simm.s32 $0x9;
	_ =	strace $0x8000004B  }
0xb4: {  	_ =	swait.ge [sflag:s29], $0x1  }
0xb5: {  	[sflag:s29] =	ssyncadd.s32 $0xFFFFFFFF  }
0xb6: {  	_ =	strace $0x9000004B  }
0xb7: {  	_ =	sfence  }
0xb8: {  	s30 =	sld [smem:$0x0];
	_ =	sdelay $0x2  }
0xb9: {  	s31 =	sshll.u32 s1, $0xD;
	s1 =	sshrl.u32 s1, $0x2  }
0xba: {  	s3 =	sand.u32 $0x4000, s31;
	s1 =	sadd.s32 s1, s30  }
0xbb: {  	s0 =	sor.u32 s3, s0;
	s1 =	sshll.u32 s1, $0x11  }
0xbc: {  	s0 =	sor.u32 s1, s0  }
0xbd: {  	s0 =	sadd.s32 $0x8F2B, s0  }
0xbe: {  	[sflag:s0] =	ssyncadd.remote.s32 $0x1  }
0xbf: {  	_ =	sfence.sel $0xFFFF  }
0xc0: {  	[dreg:$0x0] =	wrdreg $0xFFFFFFFF;
	(pc) =	sbr.abs _section_cstart, $3  }
0xc1: {  	[dreg:$0x1] =	wrdreg $0xFFFFFFFF  }
0xc2: {  	_ =	task.clear_ibuf [dreg:s7], $0x2FFFF;
	_ =	strace $0x9FFFFFFF  }
0xc3: {  	(tm) =	ssettm $0x7FFFFFFF  }
tec
execute0_lowered:
.L_overlay_start_1:
0x0: {  	(tag) =	ssettag $0x1  }
0x1: {  	s1 =	rddreg [dreg:$0x0]  }
0x2: {  	s5 =	rddreg [dreg:$0x1]  }
0x3: {  	s3 =	rddreg [dreg:$0x2]  }
0x4: {  	s0 =	rddreg [dreg:$0x3];
	s4 =	simm.s32 $0x0;
	s2 =	stileid.u32  }
0x5: {  	s6 =	srdreg.scid;
	s16 =	simm.s32 $0x80;
	s17 =	simm.s32 $0x2800  }
0x6: {  	s18 =	simm.s32 $0x6800;
	s19 =	simm.s32 $0x1;
	s20 =	simm.s32 $0x2  }
0x7: {  	s21 =	simm.s32 $0x2600;
	s22 =	simm.s32 $0x1300;
	s23 =	simm.s32 $0x2680  }
0x8: {  	s24 =	simm.s32 $0x1380;
	s25 =	simm.s32 $0x2700;
	s28 =	simm.s32 $0x0  }
0x9: {  	[smem:$0x7FF] =	sst s4;
	s7 =	smul.u32 $0x14000, s2;
	s6 =	sand.u32 $0x1, s6  }
0xa: {  	s9 =	sadd.s32 $0x7B600, s5;
	s10 =	sadd.s32 $0x85600, s5;
	s12 =	smul.u32 $0x50000, s2  }
0xb: {  	s30 =	sshll.u32 s2, $0x6;
	_ =	strace $0x8000004A;
	s8 =	smul.u32 $0x140000, s6  }
0xc: {  	s26 =	sshll.u32 s6, $0x4;
	s6 =	ssub.s32 $0x2, s6;
	s11 =	sshrl.u32 s7, $0x3  }
0xd: {  	s13 =	sshrl.u32 s6, $0x1;
	s29 =	sshrl.u32 s12, $0x2;
	s11 =	sadd.s32 s11, s5  }
0xe: {  	s7 =	sadd.s32 s7, s8;
	s8 =	sor.u32 s2, s26;
	s13 =	ssub.s32 s6, s13  }
0xf: {  	s15 =	sadd.s32 s29, s3;
	s6 =	sor.u32 $0x1C03, s30;
	s26 =	simm.s32 $0x2780  }
0x10: {  	s7 =	sshrl.u32 s7, $0x3;
	s8 =	smul.u32 $0x2800, s8;
	s12 =	smax.u32 s13, $0x1  }
0x11: {  	s13 =	sshrl.u32 s15, $0x3;
	s15 =	simm.s32 $0x1400;
	s14 =	sadd.s32 s7, s5  }
0x12: {  	s5 =	sadd.s32 $0x2E00, s11;
	s8 =	sshrl.u32 s8, $0x3;
	s11 =	sadd.s32 $0x2AE00, s14  }
0x13: {  	s14 =	simm.s32 $0x3;
	s31 =	sadd.s32 $0x280, s8;
	s7 =	sadd.s32 s9, s8  }
0x14: {  	s8 =	sadd.s32 s10, s8;
	s9 =	sadd.s32 s9, s31;
	s10 =	sadd.s32 s10, s31  }
.LBB2_1:
0x15: {  	[spmem:s13], [sflag:s6] =	dma.local [hbm:s5], $0x2800  }
0x16: {  	_ =	swait.ge [sflag:s14], $0x2800  }
0x17: {  	[sflag:s14] =	ssyncset.done $0x0  }
0x18: {  	[sflag:s14] =	ssyncadd.s32 $0xFFFFD800  }
0x19: {  	[bflag:$0x0] =	sbarrier.arrive $0xFFFF  }
0x1a: {  	[tilespmem:s4], [sflag:$0x3] =	stream.linear.gather [hbm4b:s7+s4], $0x1400, $0x38;
	[tilespmem:$0x1E800] =	vst v63  }
0x1b: {  	_ =	swait.ge [sflag:s14], $0x1400  }
0x1c: {  	[sflag:s14] =	ssyncset.done $0x0  }
0x1d: {  	[sflag:s14] =	ssyncadd.s32 $0xFFFFEC00  }
0x1e: {  	[tilespmem:s15], [sflag:$0x3] =	stream.linear.gather [hbm4b:s8+s4], $0x1400, $0x38;
	[tilespmem:$0x1E800] =	vst v63  }
0x1f: {  	_ =	swait.ge [sflag:s14], $0x1400  }
0x20: {  	[sflag:s14] =	ssyncset.done $0x0  }
0x21: {  	[sflag:s14] =	ssyncadd.s32 $0xFFFFEC00  }
0x22: {  	[tilespmem:s17], [sflag:$0x1] =	stream.indirect.gather [hbm4b:s1+s16], $0x80, s4, s16, $0xb8;
	[tilespmem:$0x1E800] =	vst v63  }
0x23: {  	_ = 	snop  }
0x24: {  	[tilespmem:s18], [sflag:$0x2] =	stream.indirect.gather [hbm4b:s1+s16], $0x80, s16, s16, $0xb8;
	[tilespmem:$0x1E800] =	vst v63  }
0x25: {  	_ =	swait.ge [sflag:s19], $0x4000  }
0x26: {  	[sflag:s19] =	ssyncset.done $0x0  }
0x27: {  	s29 =	simm.s32 $0x1400;
	[sflag:s19] =	ssyncadd.s32 $0xFFFFC000  }
0x28: {  	[spmem:s3] =	stream.indirect.scatter.add.f32 [tilespmem:s17], [sflag:$0x3], $0x80, s29, s16, $0xb8;
	[tilespmem:$0x1E800] =	vst v63  }
0x29: {  	_ =	swait.ge [sflag:s14], $0x4000  }
0x2a: {  	[sflag:s14] =	ssyncset.done $0x0  }
0x2b: {  	s29 =	simm.s32 $0x100;
	[sflag:s14] =	ssyncadd.s32 $0xFFFFC000  }
0x2c: {  	[tilespmem:s17], [sflag:$0x1] =	stream.indirect.gather [hbm4b:s1+s16], $0x80, s29, s16, $0xb8;
	[tilespmem:$0x1E800] =	vst v63  }
0x2d: {  	_ =	swait.ge [sflag:s20], $0x4000  }
0x2e: {  	[sflag:s20] =	ssyncset.done $0x0  }
0x2f: {  	s29 =	simm.s32 $0x1480;
	[sflag:s20] =	ssyncadd.s32 $0xFFFFC000  }
0x30: {  	[spmem:s3] =	stream.indirect.scatter.add.f32 [tilespmem:s18], [sflag:$0x3], $0x80, s29, s16, $0xb8;
	[tilespmem:$0x1E800] =	vst v63  }
0x31: {  	_ =	swait.ge [sflag:s14], $0x4000  }
0x32: {  	[sflag:s14] =	ssyncset.done $0x0  }
0x33: {  	s30 =	simm.s32 $0x180;
	s29 =	simm.s32 $0x400;
	[sflag:s14] =	ssyncadd.s32 $0xFFFFC000  }
.LBB2_2:
0x34: {  	[tilespmem:s18], [sflag:$0x2] =	stream.indirect.gather [hbm4b:s1+s16], $0x80, s30, s16, $0xb8;
	[tilespmem:$0x1E800] =	vst v63  }
0x35: {  	s30 =	smov.u32 s29  }
0x36: {  	p0 =	sne.s32 s29, $0x4400;
	s29 =	sadd.s32 $0x400, s29;
	_ =	swait.ge [sflag:s19], $0x4000  }
0x37: {  	s30 =	sshra.s32 s30, $0x2;
	[sflag:s19] =	ssyncset.done $0x0  }
0x38: {  	s31 =	sadd.s32 $0x1400, s30;
	[sflag:s19] =	ssyncadd.s32 $0xFFFFC000  }
0x39: {  	[spmem:s3] =	stream.indirect.scatter.add.f32 [tilespmem:s17], [sflag:$0x3], $0x80, s31, s16, $0xb8;
	[tilespmem:$0x1E800] =	vst v63  }
0x3a: {  	_ =	swait.ge [sflag:s14], $0x4000  }
0x3b: {  	[sflag:s14] =	ssyncset.done $0x0  }
0x3c: {  	s31 =	sadd.s32 $0x100, s30;
	[sflag:s14] =	ssyncadd.s32 $0xFFFFC000  }
0x3d: {  	[tilespmem:s17], [sflag:$0x1] =	stream.indirect.gather [hbm4b:s1+s16], $0x80, s31, s16, $0xb8;
	[tilespmem:$0x1E800] =	vst v63  }
0x3e: {  	_ =	swait.ge [sflag:s20], $0x4000  }
0x3f: {  	[sflag:s20] =	ssyncset.done $0x0  }
.Ltmp0:
0x40: {  	s31 =	sadd.s32 $0x1480, s30;
	[sflag:s20] =	ssyncadd.s32 $0xFFFFC000;
	(pc) =	sbr.rel @p0 .LBB2_2-.Ltmp0, $4  }
0x41: {  	[spmem:s3] =	stream.indirect.scatter.add.f32 [tilespmem:s18], [sflag:$0x3], $0x80, s31, s16, $0xb8;
	[tilespmem:$0x1E800] =	vst v63  }
0x42: {  	_ =	swait.ge [sflag:s14], $0x4000  }
0x43: {  	[sflag:s14] =	ssyncset.done $0x0  }
0x44: {  	s30 =	sadd.s32 $0x180, s30;
	[sflag:s14] =	ssyncadd.s32 $0xFFFFC000  }
0x45: {  	[tilespmem:s18], [sflag:$0x2] =	stream.indirect.gather [hbm4b:s1+s16], $0x80, s30, s16, $0xb8;
	[tilespmem:$0x1E800] =	vst v63  }
0x46: {  	_ =	swait.ge [sflag:s19], $0x4000  }
0x47: {  	[sflag:s19] =	ssyncset.done $0x0  }
0x48: {  	[sflag:s19] =	ssyncadd.s32 $0xFFFFC000  }
0x49: {  	[spmem:s3] =	stream.indirect.scatter.add.f32 [tilespmem:s17], [sflag:$0x3], $0x80, s21, s16, $0xb8;
	[tilespmem:$0x1E800] =	vst v63  }
0x4a: {  	_ =	swait.ge [sflag:s14], $0x4000  }
0x4b: {  	[sflag:s14] =	ssyncset.done $0x0  }
0x4c: {  	[sflag:s14] =	ssyncadd.s32 $0xFFFFC000  }
0x4d: {  	[tilespmem:s17], [sflag:$0x1] =	stream.indirect.gather [hbm4b:s1+s16], $0x80, s22, s16, $0xb8;
	[tilespmem:$0x1E800] =	vst v63  }
0x4e: {  	_ =	swait.ge [sflag:s20], $0x4000  }
0x4f: {  	[sflag:s20] =	ssyncset.done $0x0  }
0x50: {  	[sflag:s20] =	ssyncadd.s32 $0xFFFFC000  }
0x51: {  	[spmem:s3] =	stream.indirect.scatter.add.f32 [tilespmem:s18], [sflag:$0x3], $0x80, s23, s16, $0xb8;
	[tilespmem:$0x1E800] =	vst v63  }
0x52: {  	_ =	swait.ge [sflag:s14], $0x4000  }
0x53: {  	[sflag:s14] =	ssyncset.done $0x0  }
0x54: {  	[sflag:s14] =	ssyncadd.s32 $0xFFFFC000  }
0x55: {  	[tilespmem:s18], [sflag:$0x2] =	stream.indirect.gather [hbm4b:s1+s16], $0x80, s24, s16, $0xb8;
	[tilespmem:$0x1E800] =	vst v63  }
0x56: {  	_ =	swait.ge [sflag:s19], $0x4000  }
0x57: {  	[sflag:s19] =	ssyncset.done $0x0  }
0x58: {  	[sflag:s19] =	ssyncadd.s32 $0xFFFFC000  }
0x59: {  	[spmem:s3] =	stream.indirect.scatter.add.f32 [tilespmem:s17], [sflag:$0x3], $0x80, s25, s16, $0xb8;
	[tilespmem:$0x1E800] =	vst v63  }
0x5a: {  	_ =	swait.ge [sflag:s14], $0x4000  }
0x5b: {  	[sflag:s14] =	ssyncset.done $0x0  }
0x5c: {  	[sflag:s14] =	ssyncadd.s32 $0xFFFFC000  }
0x5d: {  	[tilespmem:s17], [sflag:$0x1] =	stream.indirect.gather [hbm4b:s1+s16], $0x80, s24, s16, $0xb8;
	[tilespmem:$0x1E800] =	vst v63  }
0x5e: {  	_ =	swait.ge [sflag:s20], $0x4000  }
0x5f: {  	[sflag:s20] =	ssyncset.done $0x0  }
0x60: {  	[sflag:s20] =	ssyncadd.s32 $0xFFFFC000  }
0x61: {  	[spmem:s3] =	stream.indirect.scatter.add.f32 [tilespmem:s18], [sflag:$0x3], $0x80, s26, s16, $0xb8;
	[tilespmem:$0x1E800] =	vst v63  }
0x62: {  	_ =	swait.ge [sflag:s14], $0x4000  }
0x63: {  	[sflag:s14] =	ssyncset.done $0x0  }
0x64: {  	[sflag:s14] =	ssyncadd.s32 $0xFFFFC000  }
0x65: {  	[tilespmem:s18], [sflag:$0x2] =	stream.indirect.gather [hbm4b:s1+s16], $0x80, s24, s16, $0xb8;
	[tilespmem:$0x1E800] =	vst v63  }
0x66: {  	_ =	swait.ge [sflag:s19], $0x4000  }
0x67: {  	[sflag:s19] =	ssyncset.done $0x0  }
0x68: {  	[sflag:s19] =	ssyncadd.s32 $0xFFFFC000  }
0x69: {  	_ =	swait.ge [sflag:s20], $0x4000  }
0x6a: {  	[sflag:s20] =	ssyncset.done $0x0  }
0x6b: {  	s29 =	simm.s32 $0x0;
	[sflag:s20] =	ssyncadd.s32 $0xFFFFC000  }
0x6c: {  	[tilespmem:s29], [sflag:$0x3] =	stream.linear.gather [hbm4b:s9+s29], $0x1400, $0x38;
	[tilespmem:$0x1E800] =	vst v63  }
0x6d: {  	_ =	swait.ge [sflag:s14], $0x1400  }
0x6e: {  	[sflag:s14] =	ssyncset.done $0x0  }
0x6f: {  	[sflag:s14] =	ssyncadd.s32 $0xFFFFEC00  }
0x70: {  	[tilespmem:s15], [sflag:$0x3] =	stream.linear.gather [hbm4b:s10+s29], $0x1400, $0x38;
	[tilespmem:$0x1E800] =	vst v63  }
0x71: {  	_ =	swait.ge [sflag:s14], $0x1400  }
0x72: {  	[sflag:s14] =	ssyncset.done $0x0  }
0x73: {  	[sflag:s14] =	ssyncadd.s32 $0xFFFFEC00  }
0x74: {  	[tilespmem:s17], [sflag:$0x1] =	stream.indirect.gather [hbm4b:s1+s16], $0x80, s29, s16, $0xb8;
	[tilespmem:$0x1E800] =	vst v63  }
0x75: {  	_ = 	snop  }
0x76: {  	[tilespmem:s18], [sflag:$0x2] =	stream.indirect.gather [hbm4b:s1+s16], $0x80, s16, s16, $0xb8;
	[tilespmem:$0x1E800] =	vst v63  }
0x77: {  	_ =	swait.ge [sflag:s19], $0x4000  }
0x78: {  	[sflag:s19] =	ssyncset.done $0x0  }
0x79: {  	s29 =	simm.s32 $0x1400;
	[sflag:s19] =	ssyncadd.s32 $0xFFFFC000  }
0x7a: {  	[spmem:s3] =	stream.indirect.scatter.add.f32 [tilespmem:s17], [sflag:$0x3], $0x80, s29, s16, $0xb8;
	[tilespmem:$0x1E800] =	vst v63  }
0x7b: {  	_ =	swait.ge [sflag:s14], $0x4000  }
0x7c: {  	[sflag:s14] =	ssyncset.done $0x0  }
0x7d: {  	s29 =	simm.s32 $0x100;
	[sflag:s14] =	ssyncadd.s32 $0xFFFFC000  }
0x7e: {  	[tilespmem:s17], [sflag:$0x1] =	stream.indirect.gather [hbm4b:s1+s16], $0x80, s29, s16, $0xb8;
	[tilespmem:$0x1E800] =	vst v63  }
0x7f: {  	_ =	swait.ge [sflag:s20], $0x4000  }
0x80: {  	[sflag:s20] =	ssyncset.done $0x0  }
0x81: {  	s29 =	simm.s32 $0x1480;
	[sflag:s20] =	ssyncadd.s32 $0xFFFFC000  }
0x82: {  	[spmem:s3] =	stream.indirect.scatter.add.f32 [tilespmem:s18], [sflag:$0x3], $0x80, s29, s16, $0xb8;
	[tilespmem:$0x1E800] =	vst v63  }
0x83: {  	_ =	swait.ge [sflag:s14], $0x4000  }
0x84: {  	[sflag:s14] =	ssyncset.done $0x0  }
0x85: {  	s30 =	simm.s32 $0x180;
	s29 =	simm.s32 $0x400;
	[sflag:s14] =	ssyncadd.s32 $0xFFFFC000  }
.LBB2_4:
0x86: {  	[tilespmem:s18], [sflag:$0x2] =	stream.indirect.gather [hbm4b:s1+s16], $0x80, s30, s16, $0xb8;
	[tilespmem:$0x1E800] =	vst v63  }
0x87: {  	s30 =	smov.u32 s29  }
0x88: {  	p0 =	sne.s32 s29, $0x4400;
	s29 =	sadd.s32 $0x400, s29;
	_ =	swait.ge [sflag:s19], $0x4000  }
0x89: {  	s30 =	sshra.s32 s30, $0x2;
	[sflag:s19] =	ssyncset.done $0x0  }
0x8a: {  	s31 =	sadd.s32 $0x1400, s30;
	[sflag:s19] =	ssyncadd.s32 $0xFFFFC000  }
0x8b: {  	[spmem:s3] =	stream.indirect.scatter.add.f32 [tilespmem:s17], [sflag:$0x3], $0x80, s31, s16, $0xb8;
	[tilespmem:$0x1E800] =	vst v63  }
0x8c: {  	_ =	swait.ge [sflag:s14], $0x4000  }
0x8d: {  	[sflag:s14] =	ssyncset.done $0x0  }
0x8e: {  	s31 =	sadd.s32 $0x100, s30;
	[sflag:s14] =	ssyncadd.s32 $0xFFFFC000  }
0x8f: {  	[tilespmem:s17], [sflag:$0x1] =	stream.indirect.gather [hbm4b:s1+s16], $0x80, s31, s16, $0xb8;
	[tilespmem:$0x1E800] =	vst v63  }
0x90: {  	_ =	swait.ge [sflag:s20], $0x4000  }
0x91: {  	[sflag:s20] =	ssyncset.done $0x0  }
.Ltmp1:
0x92: {  	s31 =	sadd.s32 $0x1480, s30;
	[sflag:s20] =	ssyncadd.s32 $0xFFFFC000;
	(pc) =	sbr.rel @p0 .LBB2_4-.Ltmp1, $4  }
0x93: {  	[spmem:s3] =	stream.indirect.scatter.add.f32 [tilespmem:s18], [sflag:$0x3], $0x80, s31, s16, $0xb8;
	[tilespmem:$0x1E800] =	vst v63  }
0x94: {  	_ =	swait.ge [sflag:s14], $0x4000  }
0x95: {  	[sflag:s14] =	ssyncset.done $0x0  }
0x96: {  	s30 =	sadd.s32 $0x180, s30;
	[sflag:s14] =	ssyncadd.s32 $0xFFFFC000  }
0x97: {  	[tilespmem:s18], [sflag:$0x2] =	stream.indirect.gather [hbm4b:s1+s16], $0x80, s30, s16, $0xb8;
	[tilespmem:$0x1E800] =	vst v63  }
0x98: {  	_ =	swait.ge [sflag:s19], $0x4000  }
0x99: {  	[sflag:s19] =	ssyncset.done $0x0  }
0x9a: {  	[sflag:s19] =	ssyncadd.s32 $0xFFFFC000  }
0x9b: {  	[spmem:s3] =	stream.indirect.scatter.add.f32 [tilespmem:s17], [sflag:$0x3], $0x80, s21, s16, $0xb8;
	[tilespmem:$0x1E800] =	vst v63  }
0x9c: {  	_ =	swait.ge [sflag:s14], $0x4000  }
0x9d: {  	[sflag:s14] =	ssyncset.done $0x0  }
0x9e: {  	[sflag:s14] =	ssyncadd.s32 $0xFFFFC000  }
0x9f: {  	[tilespmem:s17], [sflag:$0x1] =	stream.indirect.gather [hbm4b:s1+s16], $0x80, s22, s16, $0xb8;
	[tilespmem:$0x1E800] =	vst v63  }
0xa0: {  	_ =	swait.ge [sflag:s20], $0x4000  }
0xa1: {  	[sflag:s20] =	ssyncset.done $0x0  }
0xa2: {  	[sflag:s20] =	ssyncadd.s32 $0xFFFFC000  }
0xa3: {  	[spmem:s3] =	stream.indirect.scatter.add.f32 [tilespmem:s18], [sflag:$0x3], $0x80, s23, s16, $0xb8;
	[tilespmem:$0x1E800] =	vst v63  }
0xa4: {  	_ =	swait.ge [sflag:s14], $0x4000  }
0xa5: {  	[sflag:s14] =	ssyncset.done $0x0  }
0xa6: {  	[sflag:s14] =	ssyncadd.s32 $0xFFFFC000  }
0xa7: {  	[tilespmem:s18], [sflag:$0x2] =	stream.indirect.gather [hbm4b:s1+s16], $0x80, s24, s16, $0xb8;
	[tilespmem:$0x1E800] =	vst v63  }
0xa8: {  	_ =	swait.ge [sflag:s19], $0x4000  }
0xa9: {  	[sflag:s19] =	ssyncset.done $0x0  }
0xaa: {  	[sflag:s19] =	ssyncadd.s32 $0xFFFFC000  }
0xab: {  	[spmem:s3] =	stream.indirect.scatter.add.f32 [tilespmem:s17], [sflag:$0x3], $0x80, s25, s16, $0xb8;
	[tilespmem:$0x1E800] =	vst v63  }
0xac: {  	_ =	swait.ge [sflag:s14], $0x4000  }
0xad: {  	[sflag:s14] =	ssyncset.done $0x0  }
0xae: {  	[sflag:s14] =	ssyncadd.s32 $0xFFFFC000  }
0xaf: {  	[tilespmem:s17], [sflag:$0x1] =	stream.indirect.gather [hbm4b:s1+s16], $0x80, s24, s16, $0xb8;
	[tilespmem:$0x1E800] =	vst v63  }
0xb0: {  	_ =	swait.ge [sflag:s20], $0x4000  }
0xb1: {  	[sflag:s20] =	ssyncset.done $0x0  }
0xb2: {  	[sflag:s20] =	ssyncadd.s32 $0xFFFFC000  }
0xb3: {  	[spmem:s3] =	stream.indirect.scatter.add.f32 [tilespmem:s18], [sflag:$0x3], $0x80, s26, s16, $0xb8;
	[tilespmem:$0x1E800] =	vst v63  }
0xb4: {  	_ =	swait.ge [sflag:s14], $0x4000  }
0xb5: {  	[sflag:s14] =	ssyncset.done $0x0  }
0xb6: {  	[sflag:s14] =	ssyncadd.s32 $0xFFFFC000  }
0xb7: {  	[tilespmem:s18], [sflag:$0x2] =	stream.indirect.gather [hbm4b:s1+s16], $0x80, s24, s16, $0xb8;
	[tilespmem:$0x1E800] =	vst v63  }
0xb8: {  	_ =	swait.ge [sflag:s19], $0x4000  }
0xb9: {  	[sflag:s19] =	ssyncset.done $0x0  }
0xba: {  	[sflag:s19] =	ssyncadd.s32 $0xFFFFC000  }
0xbb: {  	_ =	swait.ge [sflag:s20], $0x4000  }
0xbc: {  	s28 =	sadd.s32 $0x1, s28;
	[sflag:s20] =	ssyncset.done $0x0  }
0xbd: {  	p0 =	sne.s32 s28, s12;
	[sflag:s20] =	ssyncadd.s32 $0xFFFFC000  }
.Ltmp2:
0xbe: {  	[bflag:$0x0] =	sbarrier.arrive $0xFFFF;
	(pc) =	sbr.rel @p0 .LBB2_1-.Ltmp2, $4  }
0xbf: {  	[hbm:s11], [sflag:s6] =	dma.local [spmem:s13], $0x2800  }
0xc0: {  	_ =	swait.ge [sflag:s14], $0x2800  }
0xc1: {  	[sflag:s14] =	ssyncset.done $0x0  }
0xc2: {  	[sflag:s14] =	ssyncadd.s32 $0xFFFFD800  }
0xc3: {  	_ =	sfence.sel $0x180000  }
0xc4: {  	[bflag:$0x0] =	sbarrier.arrive $0xFFFF  }
0xc5: {  	p0 =	sne.s32 s2, $0x0;
	_ =	strace $0x9000004A  }
0xc6: {  	s0 =	sadd.s32 @!p0 $0x100000, s0;
	[bflag:$0x2] =	sbarrier.arrive $0xFFFF  }
0xc7: {  	[sflag:s0] =	ssyncadd.tile.s32 @!p0 $0x1;
	_ =	shalt  }
.Lfunc_end2:
_tile_overlayer_lowered:
.L_overlay_start_2:
0xc8: {  	(tag) =	ssettag $0x2  }
0xc9: {  	s0 =	rddreg [dreg:$0x0];
	s2 =	stileid.u32  }
0xca: {  	s1 =	rddreg [dreg:$0x1];
	p0 =	sne.s32 s2, $0x0  }
0xcb: {  	s3 =	rddreg [dreg:$0x2];
	[bflag:$0x3] =	sbarrier.arrive $0xFFFF;
	s2 =	simm.s32 @!p0 $0x1C03  }
0xcc: {  	[timem:s3], [sflag:s2] =	dma.local @!p0 [hbm:s0], s1  }
0xcd: {  	s0 =	simm.s32 @!p0 $0x3  }
0xce: {  	_ =	swait.ge @!p0 [sflag:s0], s1  }
0xcf: {  	s1 =	ssub.s32 @!p0 $0x0, s1;
	[sflag:s0] =	ssyncset.done @!p0 $0x0  }
0xd0: {  	[sflag:s0] =	ssyncadd.s32 @!p0 s1  }
0xd1: {  	[bflag:$0x3] =	sbarrier.arrive $0xFFFF  }
0xd2: {  	_ =	shalt  }

// kernel: kernel.15.cloned.1.call-start
scs
__scs_entry_jumppad:
0x0: {  	(pc) =	sbr.rel $0x88, $3  }
0x1: {  	(tag) =	ssettag $0x0;
	lr =	simm.s32 $0x1  }
0x2: {  	[smem:$0x3F9B] =	sst lr;
	_ =	strace $0xD0000000  }
0x3: {  	_ = 	snop  }
0x4: {  	_ = 	snop  }
0x5: {  	_ = 	snop  }
0x6: {  	_ = 	snop  }
0x7: {  	_ = 	snop  }
__scs_overlays_trampoline_lowered:
0x8: {  	[smem:$0x3FAA] =	sst s0  }
0x9: {  	[smem:$0x3FAB] =	sst s1  }
0xa: {  	[smem:$0x3FAC] =	sst s2  }
0xb: {  	[smem:$0x3FAD] =	sst s3  }
0xc: {  	[smem:$0x3FAE] =	sst s4  }
0xd: {  	[smem:$0x3FAF] =	sst s5  }
0xe: {  	[smem:$0x3FB0] =	sst s6  }
0xf: {  	[smem:$0x3FB1] =	sst s7  }
0x10: {  	[smem:$0x3FB2] =	sst s8  }
0x11: {  	[smem:$0x3FB3] =	sst s9;
	s0 =	simm.s32 @!p0 $0x0  }
0x12: {  	s1 =	sld [smem:$0x3F99];
	s0 =	simm.s32 @p0 $0x1  }
0x13: {  	[smem:$0x3FB4] =	sst s0;
	s0 =	simm.s32 @!p1 $0x0  }
0x14: {  	s2 =	sld [smem:$0x3F98];
	s0 =	simm.s32 @p1 $0x1  }
0x15: {  	[smem:$0x3FB5] =	sst s0;
	s0 =	simm.s32 @!p2 $0x0  }
0x16: {  	s3 =	sld [smem:$0x3FDB];
	s0 =	simm.s32 @p2 $0x1  }
0x17: {  	s4 =	simm.s32 $0x1BF5;
	[smem:$0x3FB7] =	sst s0  }
0x18: {  	s0 =	sld [smem:$0x3F9A];
	_ =	swait.ge [sflag:s4], $0x0  }
0x19: {  	s7 =	sld [smem:$0x3F9B]  }
0x1a: {  	s8 =	sadd.s32 $0xFFFFE003, lr  }
0x1b: {  	s9 =	sadd.s32 $0xFFFFFEF7, lr;
	s5 =	simm.s32 $0xFFFFFFFF;
	p2 =	slt.u32 s8, $0xFFFFF086  }
0x1c: {  	p1 =	slt.u32 s9, $0xF7A;
	s5 =	simm.s32 @!p2 $0x0  }
0x1d: {  	s5 =	simm.s32 @p1 $0x1;
	p0 =	seq.s32 s7, s2  }
0x1e: {  	s7 =	smul.u32 @!p0 $0xF7A, s2;
	p2 =	seq.s32 @!p0 s5, $0x0  }
0x1f: {  	s9 =	smul.u32 $0xF7A, s1;
	s8 =	simm.s32 @!p0 $0x1BF5;
	p2 =	por !p2, p0  }
0x20: {  	[sflag:s8] =	ssyncset.s32 @!p0 $0xFFFFF086;
	s6 =	sadd.s32 @!p0 s3, s7;
	s7 =	simm.s32 @!p0 $0x108  }
0x21: {  	s3 =	sadd.s32 s3, s9;
	s6 =	sadd.s32 @!p0 $0x88, s6;
	s7 =	simm.s32 @p2 $0x1082  }
0x22: {  	[simem:s7], [sflag:s8] =	dma.local @!p0 [hbm:s6], $0xF7A  }
0x23: {  	s9 =	sor.u32 $0xD0000000, s2;
	s6 =	simm.s32 $0x108;
	_ =	swait.ge @!p0 [sflag:s8], $0x0  }
0x24: {  	s3 =	sadd.s32 $0x88, s3;
	s6 =	simm.s32 @!p1 $0x1082;
	[sflag:s4] =	ssyncset.s32 $0xFFFFF086  }
0x25: {  	[simem:s6], [sflag:s4] =	dma.local [hbm:s3], $0xF7A  }
0x26: {  	[smem:$0x3F9B] =	sst s1;
	(tag) =	ssettag s2;
	_ =	strace s9  }
0x27: {  	s1 =	sld [smem:$0x3FAB]  }
0x28: {  	s2 =	sld [smem:$0x3FAC]  }
0x29: {  	s4 =	sld [smem:$0x3FAE]  }
0x2a: {  	p0 =	seq.s32 s5, $0x0;
	s5 =	sld [smem:$0x3FAF]  }
0x2b: {  	s6 =	sld [smem:$0x3FB0]  }
0x2c: {  	s7 =	sld [smem:$0x3FB1]  }
0x2d: {  	s3 =	simm.s32 $0x108;
	s8 =	sld [smem:$0x3FB2]  }
0x2e: {  	s3 =	simm.s32 @!p0 $0x1082;
	s9 =	sld [smem:$0x3FB3]  }
0x2f: {  	lr =	sadd.s32 s0, s3;
	s0 =	sld [smem:$0x3FAA]  }
0x30: {  	s3 =	sld [smem:$0x3FAD]  }
0x31: {  	[smem:$0x3FB6] =	sst s10  }
0x32: {  	s10 =	sld [smem:$0x3FB4];
	_ =	sdelay $0x3  }
0x33: {  	p0 =	seq.s32 s10, $0x1;
	s10 =	sld [smem:$0x3FB6];
	_ =	sdelay $0x3  }
0x34: {  	[smem:$0x3FB6] =	sst s10  }
0x35: {  	s10 =	sld [smem:$0x3FB5];
	_ =	sdelay $0x3  }
0x36: {  	p1 =	seq.s32 s10, $0x1;
	s10 =	sld [smem:$0x3FB6];
	_ =	sdelay $0x3  }
0x37: {  	[smem:$0x3FB6] =	sst s10  }
0x38: {  	s10 =	sld [smem:$0x3FB7]  }
0x39: {  	_ = 	snop;
	(pc) =	sbr.ind lr, $3  }
0x3a: {  	_ = 	snop  }
0x3b: {  	_ = 	snop  }
0x3c: {  	p2 =	seq.s32 s10, $0x1;
	s10 =	sld [smem:$0x3FB6]  }
0x3d: {  	_ =	shalt  }
0x3e: {  	_ =	shalt  }
0x3f: {  	_ =	shalt  }
0x40: {  	_ =	shalt  }
0x41: {  	_ =	shalt  }
0x42: {  	_ =	shalt  }
0x43: {  	_ =	shalt  }
0x44: {  	_ =	shalt  }
0x45: {  	_ =	shalt  }
0x46: {  	_ =	shalt  }
0x47: {  	_ =	shalt  }
0x48: {  	_ =	shalt  }
0x49: {  	_ =	shalt  }
0x4a: {  	_ =	shalt  }
0x4b: {  	_ =	shalt  }
0x4c: {  	_ =	shalt  }
0x4d: {  	_ =	shalt  }
0x4e: {  	_ =	shalt  }
0x4f: {  	_ =	shalt  }
0x50: {  	_ =	shalt  }
0x51: {  	_ =	shalt  }
0x52: {  	_ =	shalt  }
0x53: {  	_ =	shalt  }
0x54: {  	_ =	shalt  }
0x55: {  	_ =	shalt  }
0x56: {  	_ =	shalt  }
0x57: {  	_ =	shalt  }
0x58: {  	_ =	shalt  }
0x59: {  	_ =	shalt  }
0x5a: {  	_ =	shalt  }
0x5b: {  	_ =	shalt  }
0x5c: {  	_ =	shalt  }
0x5d: {  	_ =	shalt  }
0x5e: {  	_ =	shalt  }
0x5f: {  	_ =	shalt  }
0x60: {  	_ =	shalt  }
0x61: {  	_ =	shalt  }
0x62: {  	_ =	shalt  }
0x63: {  	_ =	shalt  }
0x64: {  	_ =	shalt  }
0x65: {  	_ =	shalt  }
0x66: {  	_ =	shalt  }
0x67: {  	_ =	shalt  }
0x68: {  	_ =	shalt  }
0x69: {  	_ =	shalt  }
0x6a: {  	_ =	shalt  }
0x6b: {  	_ =	shalt  }
0x6c: {  	_ =	shalt  }
0x6d: {  	_ =	shalt  }
0x6e: {  	_ =	shalt  }
0x6f: {  	_ =	shalt  }
0x70: {  	_ =	shalt  }
0x71: {  	_ =	shalt  }
0x72: {  	_ =	shalt  }
0x73: {  	_ =	shalt  }
0x74: {  	_ =	shalt  }
0x75: {  	_ =	shalt  }
0x76: {  	_ =	shalt  }
0x77: {  	_ =	shalt  }
0x78: {  	_ =	shalt  }
0x79: {  	_ =	shalt  }
0x7a: {  	_ =	shalt  }
0x7b: {  	_ =	shalt  }
0x7c: {  	_ =	shalt  }
0x7d: {  	_ =	shalt  }
0x7e: {  	_ =	shalt  }
0x7f: {  	_ =	shalt  }
0x80: {  	_ =	shalt  }
0x81: {  	_ =	shalt  }
0x82: {  	_ =	shalt  }
0x83: {  	_ =	shalt  }
0x84: {  	_ =	shalt  }
0x85: {  	_ =	shalt  }
0x86: {  	_ =	shalt  }
0x87: {  	_ =	shalt  }
.Lfunc_end0:
.L_simem_size_0:
called_computation.2_lowered:
.L_overlay_start_0:
0x88: {  	s2 =	sld [smem:$0x3FD9]  }
0x89: {  	s3 =	sld [smem:$0x3FFE];
	_ =	sdelay $0x1  }
0x8a: {  	s1 =	srdreg.scid  }
0x8b: {  	s0 =	sand.u32 $0x1, s1  }
0x8c: {  	s17 =	sshll.u32 s0, $0xA;
	s2 =	sadd.s32 s3, s2  }
0x8d: {  	s2 =	sadd.s32 s2, s17  }
0x8e: {  	[smem:$0x3FC2] =	sst s2  }
0x8f: {  	_ = 	snop  }
0x90: {  	s2 =	sld [smem:$0x3FD0];
	(tm) =	ssettm $0x1  }
0x91: {  	s18 =	sld [smem:$0x3FFB];
	_ =	sdelay $0x3  }
0x92: {  	_ =	strace s18  }
0x93: {  	s3 =	sld [smem:$0x3FFC];
	_ =	sdelay $0x3  }
0x94: {  	_ =	strace s3  }
0x95: {  	s3 =	sld [smem:$0x3FFD];
	_ =	sdelay $0x3  }
0x96: {  	_ =	strace s3  }
0x97: {  	_ =	strace $0x8FFFFFFF  }
0x98: {  	s19 =	sld [smem:$0x3FDB];
	_ =	sdelay $0x1  }
0x99: {  	s4 =	simm.s32 $_scs_section_size  }
0x9a: {  	s5 =	simm.s32 $_size__tile_overlayer_lowered;
	s6 =	simm.s32 $_tile_overlayer_lowered  }
0x9b: {  	s22 =	simm.s32 $0x1BFF;
	s21 =	sshll.u32 s6, $0x1;
	s3 =	sadd.s32 s4, s19  }
0x9c: {  	s7 =	simm.s32 $0x0;
	s20 =	sshll.u32 s5, $0x1;
	s5 =	sadd.s32 s21, s3  }
0x9d: {  	[timem:s7], [sflag:s22] =	dma.local [hbm:s5], s20  }
0x9e: {  	_ =	swait.ge [sflag:s22], s20  }
0x9f: {  	s4 =	ssub.s32 $0x0, s20;
	[sflag:s22] =	ssyncset.done $0x0  }
0xa0: {  	[sflag:s22] =	ssyncadd.s32 s4;
	_ =	sdelay $0x1  }
0xa1: {  	s23 =	simm.s32 $0x1B8B  }
0xa2: {  	_ =	swait.ge [sflag:s23], $0x1  }
0xa3: {  	[sflag:s23] =	ssyncset.done $0x0  }
0xa4: {  	s25 =	simm.s32 $0x1B8E;
	s24 =	sld [smem:$0x3FFE];
	[sflag:s23] =	ssyncadd.s32 $0xFFFFFFFF  }
0xa5: {  	s26 =	simm.s32 $execute0_lowered;
	[smem:$0x3FD2] =	sst s25  }
0xa6: {  	s5 =	sshll.u32 s26, $0x1;
	_ =	strace $0x8000004C;
	[dreg:$0x1] =	wrdreg $0xFFFFFFFF  }
0xa7: {  	s28 =	simm.s32 $_size_execute0_lowered;
	s3 =	sadd.s32 s3, s5;
	[dreg:$0x0] =	wrdreg $0x0  }
0xa8: {  	s5 =	sshll.u32 s28, $0x1;
	[dreg:$0x2] =	wrdreg s3  }
0xa9: {  	[dreg:$0x3] =	wrdreg s5  }
0xaa: {  	[dreg:$0x4] =	wrdreg $0xC0  }
0xab: {  	_ =	task [dreg:s7], $0x5FFFF  }
0xac: {  	[dreg:$0x1] =	wrdreg $0xFFFFFFFF  }
0xad: {  	[dreg:$0x0] =	wrdreg $0x60  }
0xae: {  	[dreg:$0x2] =	wrdreg s2  }
0xaf: {  	[dreg:$0x3] =	wrdreg s24  }
0xb0: {  	[dreg:$0x4] =	wrdreg $0xA8000  }
0xb1: {  	[dreg:$0x5] =	wrdreg $0x9  }
0xb2: {  	_ =	task.clear_ibuf [dreg:s7], $0x6FFFF;
	_ =	strace $0x9000004C  }
0xb3: {  	s29 =	simm.s32 $0x9;
	_ =	strace $0x8000004E  }
0xb4: {  	_ =	swait.ge [sflag:s29], $0x1  }
0xb5: {  	[sflag:s29] =	ssyncadd.s32 $0xFFFFFFFF  }
0xb6: {  	_ =	strace $0x9000004E  }
0xb7: {  	_ =	sfence  }
0xb8: {  	s30 =	sld [smem:$0x0];
	_ =	sdelay $0x2  }
0xb9: {  	s31 =	sshll.u32 s1, $0xD;
	s1 =	sshrl.u32 s1, $0x2  }
0xba: {  	s3 =	sand.u32 $0x4000, s31;
	s1 =	sadd.s32 s1, s30  }
0xbb: {  	s0 =	sor.u32 s3, s0;
	s1 =	sshll.u32 s1, $0x11  }
0xbc: {  	s0 =	sor.u32 s1, s0  }
0xbd: {  	s0 =	sadd.s32 $0x8F2B, s0  }
0xbe: {  	[sflag:s0] =	ssyncadd.remote.s32 $0x1  }
0xbf: {  	_ =	sfence.sel $0xFFFF  }
0xc0: {  	[dreg:$0x0] =	wrdreg $0xFFFFFFFF;
	(pc) =	sbr.abs _section_cstart, $3  }
0xc1: {  	[dreg:$0x1] =	wrdreg $0xFFFFFFFF  }
0xc2: {  	_ =	task.clear_ibuf [dreg:s7], $0x2FFFF;
	_ =	strace $0x9FFFFFFF  }
0xc3: {  	(tm) =	ssettm $0x7FFFFFFF  }
tec
execute0_lowered:
.L_overlay_start_1:
0x0: {  	(tag) =	ssettag $0x1  }
0x1: {  	s1 =	rddreg [dreg:$0x0]  }
0x2: {  	s5 =	rddreg [dreg:$0x1]  }
0x3: {  	s3 =	rddreg [dreg:$0x2]  }
0x4: {  	s0 =	rddreg [dreg:$0x3];
	s4 =	simm.s32 $0x0;
	s2 =	stileid.u32  }
0x5: {  	s6 =	srdreg.scid;
	s16 =	simm.s32 $0x80;
	s17 =	simm.s32 $0x2800  }
0x6: {  	s18 =	simm.s32 $0x6800;
	s19 =	simm.s32 $0x1;
	s20 =	simm.s32 $0x2  }
0x7: {  	s21 =	simm.s32 $0x2600;
	s22 =	simm.s32 $0x1300;
	s23 =	simm.s32 $0x2680  }
0x8: {  	s24 =	simm.s32 $0x1380;
	s25 =	simm.s32 $0x2700;
	s28 =	simm.s32 $0x0  }
0x9: {  	[smem:$0x7FF] =	sst s4;
	s7 =	smul.u32 $0x14000, s2;
	s6 =	sand.u32 $0x1, s6  }
0xa: {  	s9 =	sadd.s32 $0x7B600, s5;
	s10 =	sadd.s32 $0x85600, s5;
	s12 =	smul.u32 $0x50000, s2  }
0xb: {  	s30 =	sshll.u32 s2, $0x6;
	_ =	strace $0x8000004D;
	s8 =	smul.u32 $0x140000, s6  }
0xc: {  	s26 =	sshll.u32 s6, $0x4;
	s6 =	ssub.s32 $0x2, s6;
	s11 =	sshrl.u32 s7, $0x3  }
0xd: {  	s13 =	sshrl.u32 s6, $0x1;
	s29 =	sshrl.u32 s12, $0x2;
	s11 =	sadd.s32 s11, s5  }
0xe: {  	s7 =	sadd.s32 s7, s8;
	s8 =	sor.u32 s2, s26;
	s13 =	ssub.s32 s6, s13  }
0xf: {  	s15 =	sadd.s32 s29, s3;
	s6 =	sor.u32 $0x1C03, s30;
	s26 =	simm.s32 $0x2780  }
0x10: {  	s7 =	sshrl.u32 s7, $0x3;
	s8 =	smul.u32 $0x2800, s8;
	s12 =	smax.u32 s13, $0x1  }
0x11: {  	s13 =	sshrl.u32 s15, $0x3;
	s15 =	simm.s32 $0x1400;
	s14 =	sadd.s32 s7, s5  }
0x12: {  	s5 =	sadd.s32 $0x2E00, s11;
	s8 =	sshrl.u32 s8, $0x3;
	s11 =	sadd.s32 $0x2AE00, s14  }
0x13: {  	s14 =	simm.s32 $0x3;
	s31 =	sadd.s32 $0x280, s8;
	s7 =	sadd.s32 s9, s8  }
0x14: {  	s8 =	sadd.s32 s10, s8;
	s9 =	sadd.s32 s9, s31;
	s10 =	sadd.s32 s10, s31  }
.LBB2_1:
0x15: {  	[spmem:s13], [sflag:s6] =	dma.local [hbm:s5], $0x2800  }
0x16: {  	_ =	swait.ge [sflag:s14], $0x2800  }
0x17: {  	[sflag:s14] =	ssyncset.done $0x0  }
0x18: {  	[sflag:s14] =	ssyncadd.s32 $0xFFFFD800  }
0x19: {  	[bflag:$0x0] =	sbarrier.arrive $0xFFFF  }
0x1a: {  	[tilespmem:s4], [sflag:$0x3] =	stream.linear.gather [hbm4b:s7+s4], $0x1400, $0x38;
	[tilespmem:$0x1E800] =	vst v63  }
0x1b: {  	_ =	swait.ge [sflag:s14], $0x1400  }
0x1c: {  	[sflag:s14] =	ssyncset.done $0x0  }
0x1d: {  	[sflag:s14] =	ssyncadd.s32 $0xFFFFEC00  }
0x1e: {  	[tilespmem:s15], [sflag:$0x3] =	stream.linear.gather [hbm4b:s8+s4], $0x1400, $0x38;
	[tilespmem:$0x1E800] =	vst v63  }
0x1f: {  	_ =	swait.ge [sflag:s14], $0x1400  }
0x20: {  	[sflag:s14] =	ssyncset.done $0x0  }
0x21: {  	[sflag:s14] =	ssyncadd.s32 $0xFFFFEC00  }
0x22: {  	[tilespmem:s17], [sflag:$0x1] =	stream.indirect.gather [hbm4b:s1+s16], $0x80, s4, s16, $0xb8;
	[tilespmem:$0x1E800] =	vst v63  }
0x23: {  	_ = 	snop  }
0x24: {  	[tilespmem:s18], [sflag:$0x2] =	stream.indirect.gather [hbm4b:s1+s16], $0x80, s16, s16, $0xb8;
	[tilespmem:$0x1E800] =	vst v63  }
0x25: {  	_ =	swait.ge [sflag:s19], $0x4000  }
0x26: {  	[sflag:s19] =	ssyncset.done $0x0  }
0x27: {  	s29 =	simm.s32 $0x1400;
	[sflag:s19] =	ssyncadd.s32 $0xFFFFC000  }
0x28: {  	[spmem:s3] =	stream.indirect.scatter.add.f32 [tilespmem:s17], [sflag:$0x3], $0x80, s29, s16, $0xb8;
	[tilespmem:$0x1E800] =	vst v63  }
0x29: {  	_ =	swait.ge [sflag:s14], $0x4000  }
0x2a: {  	[sflag:s14] =	ssyncset.done $0x0  }
0x2b: {  	s29 =	simm.s32 $0x100;
	[sflag:s14] =	ssyncadd.s32 $0xFFFFC000  }
0x2c: {  	[tilespmem:s17], [sflag:$0x1] =	stream.indirect.gather [hbm4b:s1+s16], $0x80, s29, s16, $0xb8;
	[tilespmem:$0x1E800] =	vst v63  }
0x2d: {  	_ =	swait.ge [sflag:s20], $0x4000  }
0x2e: {  	[sflag:s20] =	ssyncset.done $0x0  }
0x2f: {  	s29 =	simm.s32 $0x1480;
	[sflag:s20] =	ssyncadd.s32 $0xFFFFC000  }
0x30: {  	[spmem:s3] =	stream.indirect.scatter.add.f32 [tilespmem:s18], [sflag:$0x3], $0x80, s29, s16, $0xb8;
	[tilespmem:$0x1E800] =	vst v63  }
0x31: {  	_ =	swait.ge [sflag:s14], $0x4000  }
0x32: {  	[sflag:s14] =	ssyncset.done $0x0  }
0x33: {  	s30 =	simm.s32 $0x180;
	s29 =	simm.s32 $0x400;
	[sflag:s14] =	ssyncadd.s32 $0xFFFFC000  }
.LBB2_2:
0x34: {  	[tilespmem:s18], [sflag:$0x2] =	stream.indirect.gather [hbm4b:s1+s16], $0x80, s30, s16, $0xb8;
	[tilespmem:$0x1E800] =	vst v63  }
0x35: {  	s30 =	smov.u32 s29  }
0x36: {  	p0 =	sne.s32 s29, $0x4400;
	s29 =	sadd.s32 $0x400, s29;
	_ =	swait.ge [sflag:s19], $0x4000  }
0x37: {  	s30 =	sshra.s32 s30, $0x2;
	[sflag:s19] =	ssyncset.done $0x0  }
0x38: {  	s31 =	sadd.s32 $0x1400, s30;
	[sflag:s19] =	ssyncadd.s32 $0xFFFFC000  }
0x39: {  	[spmem:s3] =	stream.indirect.scatter.add.f32 [tilespmem:s17], [sflag:$0x3], $0x80, s31, s16, $0xb8;
	[tilespmem:$0x1E800] =	vst v63  }
0x3a: {  	_ =	swait.ge [sflag:s14], $0x4000  }
0x3b: {  	[sflag:s14] =	ssyncset.done $0x0  }
0x3c: {  	s31 =	sadd.s32 $0x100, s30;
	[sflag:s14] =	ssyncadd.s32 $0xFFFFC000  }
0x3d: {  	[tilespmem:s17], [sflag:$0x1] =	stream.indirect.gather [hbm4b:s1+s16], $0x80, s31, s16, $0xb8;
	[tilespmem:$0x1E800] =	vst v63  }
0x3e: {  	_ =	swait.ge [sflag:s20], $0x4000  }
0x3f: {  	[sflag:s20] =	ssyncset.done $0x0  }
.Ltmp0:
0x40: {  	s31 =	sadd.s32 $0x1480, s30;
	[sflag:s20] =	ssyncadd.s32 $0xFFFFC000;
	(pc) =	sbr.rel @p0 .LBB2_2-.Ltmp0, $4  }
0x41: {  	[spmem:s3] =	stream.indirect.scatter.add.f32 [tilespmem:s18], [sflag:$0x3], $0x80, s31, s16, $0xb8;
	[tilespmem:$0x1E800] =	vst v63  }
0x42: {  	_ =	swait.ge [sflag:s14], $0x4000  }
0x43: {  	[sflag:s14] =	ssyncset.done $0x0  }
0x44: {  	s30 =	sadd.s32 $0x180, s30;
	[sflag:s14] =	ssyncadd.s32 $0xFFFFC000  }
0x45: {  	[tilespmem:s18], [sflag:$0x2] =	stream.indirect.gather [hbm4b:s1+s16], $0x80, s30, s16, $0xb8;
	[tilespmem:$0x1E800] =	vst v63  }
0x46: {  	_ =	swait.ge [sflag:s19], $0x4000  }
0x47: {  	[sflag:s19] =	ssyncset.done $0x0  }
0x48: {  	[sflag:s19] =	ssyncadd.s32 $0xFFFFC000  }
0x49: {  	[spmem:s3] =	stream.indirect.scatter.add.f32 [tilespmem:s17], [sflag:$0x3], $0x80, s21, s16, $0xb8;
	[tilespmem:$0x1E800] =	vst v63  }
0x4a: {  	_ =	swait.ge [sflag:s14], $0x4000  }
0x4b: {  	[sflag:s14] =	ssyncset.done $0x0  }
0x4c: {  	[sflag:s14] =	ssyncadd.s32 $0xFFFFC000  }
0x4d: {  	[tilespmem:s17], [sflag:$0x1] =	stream.indirect.gather [hbm4b:s1+s16], $0x80, s22, s16, $0xb8;
	[tilespmem:$0x1E800] =	vst v63  }
0x4e: {  	_ =	swait.ge [sflag:s20], $0x4000  }
0x4f: {  	[sflag:s20] =	ssyncset.done $0x0  }
0x50: {  	[sflag:s20] =	ssyncadd.s32 $0xFFFFC000  }
0x51: {  	[spmem:s3] =	stream.indirect.scatter.add.f32 [tilespmem:s18], [sflag:$0x3], $0x80, s23, s16, $0xb8;
	[tilespmem:$0x1E800] =	vst v63  }
0x52: {  	_ =	swait.ge [sflag:s14], $0x4000  }
0x53: {  	[sflag:s14] =	ssyncset.done $0x0  }
0x54: {  	[sflag:s14] =	ssyncadd.s32 $0xFFFFC000  }
0x55: {  	[tilespmem:s18], [sflag:$0x2] =	stream.indirect.gather [hbm4b:s1+s16], $0x80, s24, s16, $0xb8;
	[tilespmem:$0x1E800] =	vst v63  }
0x56: {  	_ =	swait.ge [sflag:s19], $0x4000  }
0x57: {  	[sflag:s19] =	ssyncset.done $0x0  }
0x58: {  	[sflag:s19] =	ssyncadd.s32 $0xFFFFC000  }
0x59: {  	[spmem:s3] =	stream.indirect.scatter.add.f32 [tilespmem:s17], [sflag:$0x3], $0x80, s25, s16, $0xb8;
	[tilespmem:$0x1E800] =	vst v63  }
0x5a: {  	_ =	swait.ge [sflag:s14], $0x4000  }
0x5b: {  	[sflag:s14] =	ssyncset.done $0x0  }
0x5c: {  	[sflag:s14] =	ssyncadd.s32 $0xFFFFC000  }
0x5d: {  	[tilespmem:s17], [sflag:$0x1] =	stream.indirect.gather [hbm4b:s1+s16], $0x80, s24, s16, $0xb8;
	[tilespmem:$0x1E800] =	vst v63  }
0x5e: {  	_ =	swait.ge [sflag:s20], $0x4000  }
0x5f: {  	[sflag:s20] =	ssyncset.done $0x0  }
0x60: {  	[sflag:s20] =	ssyncadd.s32 $0xFFFFC000  }
0x61: {  	[spmem:s3] =	stream.indirect.scatter.add.f32 [tilespmem:s18], [sflag:$0x3], $0x80, s26, s16, $0xb8;
	[tilespmem:$0x1E800] =	vst v63  }
0x62: {  	_ =	swait.ge [sflag:s14], $0x4000  }
0x63: {  	[sflag:s14] =	ssyncset.done $0x0  }
0x64: {  	[sflag:s14] =	ssyncadd.s32 $0xFFFFC000  }
0x65: {  	[tilespmem:s18], [sflag:$0x2] =	stream.indirect.gather [hbm4b:s1+s16], $0x80, s24, s16, $0xb8;
	[tilespmem:$0x1E800] =	vst v63  }
0x66: {  	_ =	swait.ge [sflag:s19], $0x4000  }
0x67: {  	[sflag:s19] =	ssyncset.done $0x0  }
0x68: {  	[sflag:s19] =	ssyncadd.s32 $0xFFFFC000  }
0x69: {  	_ =	swait.ge [sflag:s20], $0x4000  }
0x6a: {  	[sflag:s20] =	ssyncset.done $0x0  }
0x6b: {  	s29 =	simm.s32 $0x0;
	[sflag:s20] =	ssyncadd.s32 $0xFFFFC000  }
0x6c: {  	[tilespmem:s29], [sflag:$0x3] =	stream.linear.gather [hbm4b:s9+s29], $0x1400, $0x38;
	[tilespmem:$0x1E800] =	vst v63  }
0x6d: {  	_ =	swait.ge [sflag:s14], $0x1400  }
0x6e: {  	[sflag:s14] =	ssyncset.done $0x0  }
0x6f: {  	[sflag:s14] =	ssyncadd.s32 $0xFFFFEC00  }
0x70: {  	[tilespmem:s15], [sflag:$0x3] =	stream.linear.gather [hbm4b:s10+s29], $0x1400, $0x38;
	[tilespmem:$0x1E800] =	vst v63  }
0x71: {  	_ =	swait.ge [sflag:s14], $0x1400  }
0x72: {  	[sflag:s14] =	ssyncset.done $0x0  }
0x73: {  	[sflag:s14] =	ssyncadd.s32 $0xFFFFEC00  }
0x74: {  	[tilespmem:s17], [sflag:$0x1] =	stream.indirect.gather [hbm4b:s1+s16], $0x80, s29, s16, $0xb8;
	[tilespmem:$0x1E800] =	vst v63  }
0x75: {  	_ = 	snop  }
0x76: {  	[tilespmem:s18], [sflag:$0x2] =	stream.indirect.gather [hbm4b:s1+s16], $0x80, s16, s16, $0xb8;
	[tilespmem:$0x1E800] =	vst v63  }
0x77: {  	_ =	swait.ge [sflag:s19], $0x4000  }
0x78: {  	[sflag:s19] =	ssyncset.done $0x0  }
0x79: {  	s29 =	simm.s32 $0x1400;
	[sflag:s19] =	ssyncadd.s32 $0xFFFFC000  }
0x7a: {  	[spmem:s3] =	stream.indirect.scatter.add.f32 [tilespmem:s17], [sflag:$0x3], $0x80, s29, s16, $0xb8;
	[tilespmem:$0x1E800] =	vst v63  }
0x7b: {  	_ =	swait.ge [sflag:s14], $0x4000  }
0x7c: {  	[sflag:s14] =	ssyncset.done $0x0  }
0x7d: {  	s29 =	simm.s32 $0x100;
	[sflag:s14] =	ssyncadd.s32 $0xFFFFC000  }
0x7e: {  	[tilespmem:s17], [sflag:$0x1] =	stream.indirect.gather [hbm4b:s1+s16], $0x80, s29, s16, $0xb8;
	[tilespmem:$0x1E800] =	vst v63  }
0x7f: {  	_ =	swait.ge [sflag:s20], $0x4000  }
0x80: {  	[sflag:s20] =	ssyncset.done $0x0  }
0x81: {  	s29 =	simm.s32 $0x1480;
	[sflag:s20] =	ssyncadd.s32 $0xFFFFC000  }
0x82: {  	[spmem:s3] =	stream.indirect.scatter.add.f32 [tilespmem:s18], [sflag:$0x3], $0x80, s29, s16, $0xb8;
	[tilespmem:$0x1E800] =	vst v63  }
0x83: {  	_ =	swait.ge [sflag:s14], $0x4000  }
0x84: {  	[sflag:s14] =	ssyncset.done $0x0  }
0x85: {  	s30 =	simm.s32 $0x180;
	s29 =	simm.s32 $0x400;
	[sflag:s14] =	ssyncadd.s32 $0xFFFFC000  }
.LBB2_4:
0x86: {  	[tilespmem:s18], [sflag:$0x2] =	stream.indirect.gather [hbm4b:s1+s16], $0x80, s30, s16, $0xb8;
	[tilespmem:$0x1E800] =	vst v63  }
0x87: {  	s30 =	smov.u32 s29  }
0x88: {  	p0 =	sne.s32 s29, $0x4400;
	s29 =	sadd.s32 $0x400, s29;
	_ =	swait.ge [sflag:s19], $0x4000  }
0x89: {  	s30 =	sshra.s32 s30, $0x2;
	[sflag:s19] =	ssyncset.done $0x0  }
0x8a: {  	s31 =	sadd.s32 $0x1400, s30;
	[sflag:s19] =	ssyncadd.s32 $0xFFFFC000  }
0x8b: {  	[spmem:s3] =	stream.indirect.scatter.add.f32 [tilespmem:s17], [sflag:$0x3], $0x80, s31, s16, $0xb8;
	[tilespmem:$0x1E800] =	vst v63  }
0x8c: {  	_ =	swait.ge [sflag:s14], $0x4000  }
0x8d: {  	[sflag:s14] =	ssyncset.done $0x0  }
0x8e: {  	s31 =	sadd.s32 $0x100, s30;
	[sflag:s14] =	ssyncadd.s32 $0xFFFFC000  }
0x8f: {  	[tilespmem:s17], [sflag:$0x1] =	stream.indirect.gather [hbm4b:s1+s16], $0x80, s31, s16, $0xb8;
	[tilespmem:$0x1E800] =	vst v63  }
0x90: {  	_ =	swait.ge [sflag:s20], $0x4000  }
0x91: {  	[sflag:s20] =	ssyncset.done $0x0  }
.Ltmp1:
0x92: {  	s31 =	sadd.s32 $0x1480, s30;
	[sflag:s20] =	ssyncadd.s32 $0xFFFFC000;
	(pc) =	sbr.rel @p0 .LBB2_4-.Ltmp1, $4  }
0x93: {  	[spmem:s3] =	stream.indirect.scatter.add.f32 [tilespmem:s18], [sflag:$0x3], $0x80, s31, s16, $0xb8;
	[tilespmem:$0x1E800] =	vst v63  }
0x94: {  	_ =	swait.ge [sflag:s14], $0x4000  }
0x95: {  	[sflag:s14] =	ssyncset.done $0x0  }
0x96: {  	s30 =	sadd.s32 $0x180, s30;
	[sflag:s14] =	ssyncadd.s32 $0xFFFFC000  }
0x97: {  	[tilespmem:s18], [sflag:$0x2] =	stream.indirect.gather [hbm4b:s1+s16], $0x80, s30, s16, $0xb8;
	[tilespmem:$0x1E800] =	vst v63  }
0x98: {  	_ =	swait.ge [sflag:s19], $0x4000  }
0x99: {  	[sflag:s19] =	ssyncset.done $0x0  }
0x9a: {  	[sflag:s19] =	ssyncadd.s32 $0xFFFFC000  }
0x9b: {  	[spmem:s3] =	stream.indirect.scatter.add.f32 [tilespmem:s17], [sflag:$0x3], $0x80, s21, s16, $0xb8;
	[tilespmem:$0x1E800] =	vst v63  }
0x9c: {  	_ =	swait.ge [sflag:s14], $0x4000  }
0x9d: {  	[sflag:s14] =	ssyncset.done $0x0  }
0x9e: {  	[sflag:s14] =	ssyncadd.s32 $0xFFFFC000  }
0x9f: {  	[tilespmem:s17], [sflag:$0x1] =	stream.indirect.gather [hbm4b:s1+s16], $0x80, s22, s16, $0xb8;
	[tilespmem:$0x1E800] =	vst v63  }
0xa0: {  	_ =	swait.ge [sflag:s20], $0x4000  }
0xa1: {  	[sflag:s20] =	ssyncset.done $0x0  }
0xa2: {  	[sflag:s20] =	ssyncadd.s32 $0xFFFFC000  }
0xa3: {  	[spmem:s3] =	stream.indirect.scatter.add.f32 [tilespmem:s18], [sflag:$0x3], $0x80, s23, s16, $0xb8;
	[tilespmem:$0x1E800] =	vst v63  }
0xa4: {  	_ =	swait.ge [sflag:s14], $0x4000  }
0xa5: {  	[sflag:s14] =	ssyncset.done $0x0  }
0xa6: {  	[sflag:s14] =	ssyncadd.s32 $0xFFFFC000  }
0xa7: {  	[tilespmem:s18], [sflag:$0x2] =	stream.indirect.gather [hbm4b:s1+s16], $0x80, s24, s16, $0xb8;
	[tilespmem:$0x1E800] =	vst v63  }
0xa8: {  	_ =	swait.ge [sflag:s19], $0x4000  }
0xa9: {  	[sflag:s19] =	ssyncset.done $0x0  }
0xaa: {  	[sflag:s19] =	ssyncadd.s32 $0xFFFFC000  }
0xab: {  	[spmem:s3] =	stream.indirect.scatter.add.f32 [tilespmem:s17], [sflag:$0x3], $0x80, s25, s16, $0xb8;
	[tilespmem:$0x1E800] =	vst v63  }
0xac: {  	_ =	swait.ge [sflag:s14], $0x4000  }
0xad: {  	[sflag:s14] =	ssyncset.done $0x0  }
0xae: {  	[sflag:s14] =	ssyncadd.s32 $0xFFFFC000  }
0xaf: {  	[tilespmem:s17], [sflag:$0x1] =	stream.indirect.gather [hbm4b:s1+s16], $0x80, s24, s16, $0xb8;
	[tilespmem:$0x1E800] =	vst v63  }
0xb0: {  	_ =	swait.ge [sflag:s20], $0x4000  }
0xb1: {  	[sflag:s20] =	ssyncset.done $0x0  }
0xb2: {  	[sflag:s20] =	ssyncadd.s32 $0xFFFFC000  }
0xb3: {  	[spmem:s3] =	stream.indirect.scatter.add.f32 [tilespmem:s18], [sflag:$0x3], $0x80, s26, s16, $0xb8;
	[tilespmem:$0x1E800] =	vst v63  }
0xb4: {  	_ =	swait.ge [sflag:s14], $0x4000  }
0xb5: {  	[sflag:s14] =	ssyncset.done $0x0  }
0xb6: {  	[sflag:s14] =	ssyncadd.s32 $0xFFFFC000  }
0xb7: {  	[tilespmem:s18], [sflag:$0x2] =	stream.indirect.gather [hbm4b:s1+s16], $0x80, s24, s16, $0xb8;
	[tilespmem:$0x1E800] =	vst v63  }
0xb8: {  	_ =	swait.ge [sflag:s19], $0x4000  }
0xb9: {  	[sflag:s19] =	ssyncset.done $0x0  }
0xba: {  	[sflag:s19] =	ssyncadd.s32 $0xFFFFC000  }
0xbb: {  	_ =	swait.ge [sflag:s20], $0x4000  }
0xbc: {  	s28 =	sadd.s32 $0x1, s28;
	[sflag:s20] =	ssyncset.done $0x0  }
0xbd: {  	p0 =	sne.s32 s28, s12;
	[sflag:s20] =	ssyncadd.s32 $0xFFFFC000  }
.Ltmp2:
0xbe: {  	[bflag:$0x0] =	sbarrier.arrive $0xFFFF;
	(pc) =	sbr.rel @p0 .LBB2_1-.Ltmp2, $4  }
0xbf: {  	[hbm:s11], [sflag:s6] =	dma.local [spmem:s13], $0x2800  }
0xc0: {  	_ =	swait.ge [sflag:s14], $0x2800  }
0xc1: {  	[sflag:s14] =	ssyncset.done $0x0  }
0xc2: {  	[sflag:s14] =	ssyncadd.s32 $0xFFFFD800  }
0xc3: {  	_ =	sfence.sel $0x180000  }
0xc4: {  	[bflag:$0x0] =	sbarrier.arrive $0xFFFF  }
0xc5: {  	p0 =	sne.s32 s2, $0x0;
	_ =	strace $0x9000004D  }
0xc6: {  	s0 =	sadd.s32 @!p0 $0x100000, s0;
	[bflag:$0x2] =	sbarrier.arrive $0xFFFF  }
0xc7: {  	[sflag:s0] =	ssyncadd.tile.s32 @!p0 $0x1;
	_ =	shalt  }
.Lfunc_end2:
_tile_overlayer_lowered:
.L_overlay_start_2:
0xc8: {  	(tag) =	ssettag $0x2  }
0xc9: {  	s0 =	rddreg [dreg:$0x0];
	s2 =	stileid.u32  }
0xca: {  	s1 =	rddreg [dreg:$0x1];
	p0 =	sne.s32 s2, $0x0  }
0xcb: {  	s3 =	rddreg [dreg:$0x2];
	[bflag:$0x3] =	sbarrier.arrive $0xFFFF;
	s2 =	simm.s32 @!p0 $0x1C03  }
0xcc: {  	[timem:s3], [sflag:s2] =	dma.local @!p0 [hbm:s0], s1  }
0xcd: {  	s0 =	simm.s32 @!p0 $0x3  }
0xce: {  	_ =	swait.ge @!p0 [sflag:s0], s1  }
0xcf: {  	s1 =	ssub.s32 @!p0 $0x0, s1;
	[sflag:s0] =	ssyncset.done @!p0 $0x0  }
0xd0: {  	[sflag:s0] =	ssyncadd.s32 @!p0 s1  }
0xd1: {  	[bflag:$0x3] =	sbarrier.arrive $0xFFFF  }
0xd2: {  	_ =	shalt  }

// kernel: kernel.9.cloned.1.call-start
scs
__scs_entry_jumppad:
0x0: {  	(pc) =	sbr.rel $0x88, $3  }
0x1: {  	(tag) =	ssettag $0x0;
	lr =	simm.s32 $0x1  }
0x2: {  	[smem:$0x3F9B] =	sst lr;
	_ =	strace $0xD0000000  }
0x3: {  	_ = 	snop  }
0x4: {  	_ = 	snop  }
0x5: {  	_ = 	snop  }
0x6: {  	_ = 	snop  }
0x7: {  	_ = 	snop  }
__scs_overlays_trampoline_lowered:
0x8: {  	[smem:$0x3FAA] =	sst s0  }
0x9: {  	[smem:$0x3FAB] =	sst s1  }
0xa: {  	[smem:$0x3FAC] =	sst s2  }
0xb: {  	[smem:$0x3FAD] =	sst s3  }
0xc: {  	[smem:$0x3FAE] =	sst s4  }
0xd: {  	[smem:$0x3FAF] =	sst s5  }
0xe: {  	[smem:$0x3FB0] =	sst s6  }
0xf: {  	[smem:$0x3FB1] =	sst s7  }
0x10: {  	[smem:$0x3FB2] =	sst s8  }
0x11: {  	[smem:$0x3FB3] =	sst s9;
	s0 =	simm.s32 @!p0 $0x0  }
0x12: {  	s1 =	sld [smem:$0x3F99];
	s0 =	simm.s32 @p0 $0x1  }
0x13: {  	[smem:$0x3FB4] =	sst s0;
	s0 =	simm.s32 @!p1 $0x0  }
0x14: {  	s2 =	sld [smem:$0x3F98];
	s0 =	simm.s32 @p1 $0x1  }
0x15: {  	[smem:$0x3FB5] =	sst s0;
	s0 =	simm.s32 @!p2 $0x0  }
0x16: {  	s3 =	sld [smem:$0x3FDB];
	s0 =	simm.s32 @p2 $0x1  }
0x17: {  	s4 =	simm.s32 $0x1BF5;
	[smem:$0x3FB7] =	sst s0  }
0x18: {  	s0 =	sld [smem:$0x3F9A];
	_ =	swait.ge [sflag:s4], $0x0  }
0x19: {  	s7 =	sld [smem:$0x3F9B]  }
0x1a: {  	s8 =	sadd.s32 $0xFFFFE003, lr  }
0x1b: {  	s9 =	sadd.s32 $0xFFFFFEF7, lr;
	s5 =	simm.s32 $0xFFFFFFFF;
	p2 =	slt.u32 s8, $0xFFFFF086  }
0x1c: {  	p1 =	slt.u32 s9, $0xF7A;
	s5 =	simm.s32 @!p2 $0x0  }
0x1d: {  	s5 =	simm.s32 @p1 $0x1;
	p0 =	seq.s32 s7, s2  }
0x1e: {  	s7 =	smul.u32 @!p0 $0xF7A, s2;
	p2 =	seq.s32 @!p0 s5, $0x0  }
0x1f: {  	s9 =	smul.u32 $0xF7A, s1;
	s8 =	simm.s32 @!p0 $0x1BF5;
	p2 =	por !p2, p0  }
0x20: {  	[sflag:s8] =	ssyncset.s32 @!p0 $0xFFFFF086;
	s6 =	sadd.s32 @!p0 s3, s7;
	s7 =	simm.s32 @!p0 $0x108  }
0x21: {  	s3 =	sadd.s32 s3, s9;
	s6 =	sadd.s32 @!p0 $0x88, s6;
	s7 =	simm.s32 @p2 $0x1082  }
0x22: {  	[simem:s7], [sflag:s8] =	dma.local @!p0 [hbm:s6], $0xF7A  }
0x23: {  	s9 =	sor.u32 $0xD0000000, s2;
	s6 =	simm.s32 $0x108;
	_ =	swait.ge @!p0 [sflag:s8], $0x0  }
0x24: {  	s3 =	sadd.s32 $0x88, s3;
	s6 =	simm.s32 @!p1 $0x1082;
	[sflag:s4] =	ssyncset.s32 $0xFFFFF086  }
0x25: {  	[simem:s6], [sflag:s4] =	dma.local [hbm:s3], $0xF7A  }
0x26: {  	[smem:$0x3F9B] =	sst s1;
	(tag) =	ssettag s2;
	_ =	strace s9  }
0x27: {  	s1 =	sld [smem:$0x3FAB]  }
0x28: {  	s2 =	sld [smem:$0x3FAC]  }
0x29: {  	s4 =	sld [smem:$0x3FAE]  }
0x2a: {  	p0 =	seq.s32 s5, $0x0;
	s5 =	sld [smem:$0x3FAF]  }
0x2b: {  	s6 =	sld [smem:$0x3FB0]  }
0x2c: {  	s7 =	sld [smem:$0x3FB1]  }
0x2d: {  	s3 =	simm.s32 $0x108;
	s8 =	sld [smem:$0x3FB2]  }
0x2e: {  	s3 =	simm.s32 @!p0 $0x1082;
	s9 =	sld [smem:$0x3FB3]  }
0x2f: {  	lr =	sadd.s32 s0, s3;
	s0 =	sld [smem:$0x3FAA]  }
0x30: {  	s3 =	sld [smem:$0x3FAD]  }
0x31: {  	[smem:$0x3FB6] =	sst s10  }
0x32: {  	s10 =	sld [smem:$0x3FB4];
	_ =	sdelay $0x3  }
0x33: {  	p0 =	seq.s32 s10, $0x1;
	s10 =	sld [smem:$0x3FB6];
	_ =	sdelay $0x3  }
0x34: {  	[smem:$0x3FB6] =	sst s10  }
0x35: {  	s10 =	sld [smem:$0x3FB5];
	_ =	sdelay $0x3  }
0x36: {  	p1 =	seq.s32 s10, $0x1;
	s10 =	sld [smem:$0x3FB6];
	_ =	sdelay $0x3  }
0x37: {  	[smem:$0x3FB6] =	sst s10  }
0x38: {  	s10 =	sld [smem:$0x3FB7]  }
0x39: {  	_ = 	snop;
	(pc) =	sbr.ind lr, $3  }
0x3a: {  	_ = 	snop  }
0x3b: {  	_ = 	snop  }
0x3c: {  	p2 =	seq.s32 s10, $0x1;
	s10 =	sld [smem:$0x3FB6]  }
0x3d: {  	_ =	shalt  }
0x3e: {  	_ =	shalt  }
0x3f: {  	_ =	shalt  }
0x40: {  	_ =	shalt  }
0x41: {  	_ =	shalt  }
0x42: {  	_ =	shalt  }
0x43: {  	_ =	shalt  }
0x44: {  	_ =	shalt  }
0x45: {  	_ =	shalt  }
0x46: {  	_ =	shalt  }
0x47: {  	_ =	shalt  }
0x48: {  	_ =	shalt  }
0x49: {  	_ =	shalt  }
0x4a: {  	_ =	shalt  }
0x4b: {  	_ =	shalt  }
0x4c: {  	_ =	shalt  }
0x4d: {  	_ =	shalt  }
0x4e: {  	_ =	shalt  }
0x4f: {  	_ =	shalt  }
0x50: {  	_ =	shalt  }
0x51: {  	_ =	shalt  }
0x52: {  	_ =	shalt  }
0x53: {  	_ =	shalt  }
0x54: {  	_ =	shalt  }
0x55: {  	_ =	shalt  }
0x56: {  	_ =	shalt  }
0x57: {  	_ =	shalt  }
0x58: {  	_ =	shalt  }
0x59: {  	_ =	shalt  }
0x5a: {  	_ =	shalt  }
0x5b: {  	_ =	shalt  }
0x5c: {  	_ =	shalt  }
0x5d: {  	_ =	shalt  }
0x5e: {  	_ =	shalt  }
0x5f: {  	_ =	shalt  }
0x60: {  	_ =	shalt  }
0x61: {  	_ =	shalt  }
0x62: {  	_ =	shalt  }
0x63: {  	_ =	shalt  }
0x64: {  	_ =	shalt  }
0x65: {  	_ =	shalt  }
0x66: {  	_ =	shalt  }
0x67: {  	_ =	shalt  }
0x68: {  	_ =	shalt  }
0x69: {  	_ =	shalt  }
0x6a: {  	_ =	shalt  }
0x6b: {  	_ =	shalt  }
0x6c: {  	_ =	shalt  }
0x6d: {  	_ =	shalt  }
0x6e: {  	_ =	shalt  }
0x6f: {  	_ =	shalt  }
0x70: {  	_ =	shalt  }
0x71: {  	_ =	shalt  }
0x72: {  	_ =	shalt  }
0x73: {  	_ =	shalt  }
0x74: {  	_ =	shalt  }
0x75: {  	_ =	shalt  }
0x76: {  	_ =	shalt  }
0x77: {  	_ =	shalt  }
0x78: {  	_ =	shalt  }
0x79: {  	_ =	shalt  }
0x7a: {  	_ =	shalt  }
0x7b: {  	_ =	shalt  }
0x7c: {  	_ =	shalt  }
0x7d: {  	_ =	shalt  }
0x7e: {  	_ =	shalt  }
0x7f: {  	_ =	shalt  }
0x80: {  	_ =	shalt  }
0x81: {  	_ =	shalt  }
0x82: {  	_ =	shalt  }
0x83: {  	_ =	shalt  }
0x84: {  	_ =	shalt  }
0x85: {  	_ =	shalt  }
0x86: {  	_ =	shalt  }
0x87: {  	_ =	shalt  }
.Lfunc_end0:
.L_simem_size_0:
called_computation_lowered:
.L_overlay_start_0:
0x88: {  	s2 =	sld [smem:$0x3FD9]  }
0x89: {  	s3 =	sld [smem:$0x3FFE];
	_ =	sdelay $0x1  }
0x8a: {  	s1 =	srdreg.scid  }
0x8b: {  	s0 =	sand.u32 $0x1, s1  }
0x8c: {  	s17 =	sshll.u32 s0, $0xA;
	s2 =	sadd.s32 s3, s2  }
0x8d: {  	s2 =	sadd.s32 s2, s17  }
0x8e: {  	[smem:$0x3FC2] =	sst s2  }
0x8f: {  	_ = 	snop  }
0x90: {  	s2 =	sld [smem:$0x3FD0];
	(tm) =	ssettm $0x1  }
0x91: {  	s18 =	sld [smem:$0x3FFB];
	_ =	sdelay $0x3  }
0x92: {  	_ =	strace s18  }
0x93: {  	s3 =	sld [smem:$0x3FFC];
	_ =	sdelay $0x3  }
0x94: {  	_ =	strace s3  }
0x95: {  	s3 =	sld [smem:$0x3FFD];
	_ =	sdelay $0x3  }
0x96: {  	_ =	strace s3  }
0x97: {  	_ =	strace $0x8FFFFFFF  }
0x98: {  	s19 =	sld [smem:$0x3FDB];
	_ =	sdelay $0x1  }
0x99: {  	s4 =	simm.s32 $_scs_section_size  }
0x9a: {  	s5 =	simm.s32 $_size__tile_overlayer_lowered;
	s6 =	simm.s32 $_tile_overlayer_lowered  }
0x9b: {  	s22 =	simm.s32 $0x1BFF;
	s21 =	sshll.u32 s6, $0x1;
	s3 =	sadd.s32 s4, s19  }
0x9c: {  	s7 =	simm.s32 $0x0;
	s20 =	sshll.u32 s5, $0x1;
	s5 =	sadd.s32 s21, s3  }
0x9d: {  	[timem:s7], [sflag:s22] =	dma.local [hbm:s5], s20  }
0x9e: {  	_ =	swait.ge [sflag:s22], s20  }
0x9f: {  	s4 =	ssub.s32 $0x0, s20;
	[sflag:s22] =	ssyncset.done $0x0  }
0xa0: {  	[sflag:s22] =	ssyncadd.s32 s4;
	_ =	sdelay $0x1  }
0xa1: {  	s23 =	simm.s32 $0x1B8B  }
0xa2: {  	_ =	swait.ge [sflag:s23], $0x1  }
0xa3: {  	[sflag:s23] =	ssyncset.done $0x0  }
0xa4: {  	s25 =	simm.s32 $0x1B8E;
	s24 =	sld [smem:$0x3FFE];
	[sflag:s23] =	ssyncadd.s32 $0xFFFFFFFF  }
0xa5: {  	s26 =	simm.s32 $execute0_lowered;
	[smem:$0x3FD2] =	sst s25  }
0xa6: {  	s5 =	sshll.u32 s26, $0x1;
	_ =	strace $0x80000046;
	[dreg:$0x1] =	wrdreg $0xFFFFFFFF  }
0xa7: {  	s28 =	simm.s32 $_size_execute0_lowered;
	s3 =	sadd.s32 s3, s5;
	[dreg:$0x0] =	wrdreg $0x0  }
0xa8: {  	s5 =	sshll.u32 s28, $0x1;
	[dreg:$0x2] =	wrdreg s3  }
0xa9: {  	[dreg:$0x3] =	wrdreg s5  }
0xaa: {  	[dreg:$0x4] =	wrdreg $0xC0  }
0xab: {  	_ =	task [dreg:s7], $0x5FFFF  }
0xac: {  	[dreg:$0x1] =	wrdreg $0xFFFFFFFF  }
0xad: {  	[dreg:$0x0] =	wrdreg $0x60  }
0xae: {  	[dreg:$0x2] =	wrdreg s2  }
0xaf: {  	[dreg:$0x3] =	wrdreg s24  }
0xb0: {  	[dreg:$0x4] =	wrdreg $0x6A000  }
0xb1: {  	[dreg:$0x5] =	wrdreg $0x9  }
0xb2: {  	_ =	task.clear_ibuf [dreg:s7], $0x6FFFF;
	_ =	strace $0x90000046  }
0xb3: {  	s29 =	simm.s32 $0x9;
	_ =	strace $0x80000048  }
0xb4: {  	_ =	swait.ge [sflag:s29], $0x1  }
0xb5: {  	[sflag:s29] =	ssyncadd.s32 $0xFFFFFFFF  }
0xb6: {  	_ =	strace $0x90000048  }
0xb7: {  	_ =	sfence  }
0xb8: {  	s30 =	sld [smem:$0x0];
	_ =	sdelay $0x2  }
0xb9: {  	s31 =	sshll.u32 s1, $0xD;
	s1 =	sshrl.u32 s1, $0x2  }
0xba: {  	s3 =	sand.u32 $0x4000, s31;
	s1 =	sadd.s32 s1, s30  }
0xbb: {  	s0 =	sor.u32 s3, s0;
	s1 =	sshll.u32 s1, $0x11  }
0xbc: {  	s0 =	sor.u32 s1, s0  }
0xbd: {  	s0 =	sadd.s32 $0x8F2B, s0  }
0xbe: {  	[sflag:s0] =	ssyncadd.remote.s32 $0x1  }
0xbf: {  	_ =	sfence.sel $0xFFFF  }
0xc0: {  	[dreg:$0x0] =	wrdreg $0xFFFFFFFF;
	(pc) =	sbr.abs _section_cstart, $3  }
0xc1: {  	[dreg:$0x1] =	wrdreg $0xFFFFFFFF  }
0xc2: {  	_ =	task.clear_ibuf [dreg:s7], $0x2FFFF;
	_ =	strace $0x9FFFFFFF  }
0xc3: {  	(tm) =	ssettm $0x7FFFFFFF  }
tec
execute0_lowered:
.L_overlay_start_1:
0x0: {  	(tag) =	ssettag $0x1  }
0x1: {  	s10 =	rddreg [dreg:$0x0]  }
0x2: {  	s5 =	rddreg [dreg:$0x1]  }
0x3: {  	s2 =	rddreg [dreg:$0x2]  }
0x4: {  	s0 =	rddreg [dreg:$0x3]  }
0x5: {  	s1 =	stileid.u32;
	s4 =	srdreg.scid;
	s3 =	simm.s32 $0x0  }
0x6: {  	s15 =	simm.s32 $0x1;
	s16 =	simm.s32 $0x2800;
	s17 =	simm.s32 $0x2A00  }
0x7: {  	s18 =	simm.s32 $0x80;
	s6 =	smul.u32 $0x14000, s1;
	s7 =	sand.u32 $0x1, s4  }
0x8: {  	[smem:$0x7FF] =	sst s3;
	s4 =	sadd.s32 $0x2AE00, s5;
	s11 =	smul.u32 $0x50000, s1  }
0x9: {  	s29 =	sshll.u32 s1, $0x6;
	s8 =	smul.u32 $0x140000, s7;
	_ =	strace $0x80000047  }
0xa: {  	s24 =	ssub.s32 $0x2, s7;
	s26 =	sshll.u32 s7, $0x4;
	s7 =	simm.s32 $0x50  }
0xb: {  	s23 =	sshrl.u32 s6, $0x3;
	s25 =	sshrl.u32 s24, $0x1;
	s19 =	sor.u32 s1, s26  }
0xc: {  	s28 =	sshrl.u32 s11, $0x2;
	s9 =	sadd.s32 s23, s5;
	s6 =	sadd.s32 s6, s8  }
0xd: {  	s13 =	ssub.s32 s24, s25;
	s14 =	sadd.s32 s28, s2;
	s30 =	smul.u32 $0x48, s19  }
0xe: {  	p0 =	slt.u32 s19, $0x18;
	s8 =	simm.s32 $0x0;
	s31 =	sshll.u32 s19, $0x7  }
0xf: {  	s6 =	sshrl.u32 s6, $0x3;
	s7 =	simm.s32 @!p0 $0x48;
	s8 =	simm.s32 @!p0 $0x400  }
0x10: {  	s12 =	sadd.s32 s6, s5;
	s5 =	sadd.s32 $0x2E00, s9;
	s9 =	smul.u32 $0x50, s19  }
0x11: {  	s13 =	smax.u32 s13, $0x1;
	s14 =	sshrl.u32 s14, $0x3;
	s11 =	sadd.s32 $0xB8, s30  }
0x12: {  	s6 =	sor.u32 $0x1C01, s29;
	s12 =	sadd.s32 $0x2B600, s12;
	s11 =	smov.u32 @p0 s9  }
0x13: {  	p0 =	sgt.u32 s19, $0x3;
	s19 =	simm.s32 $0x0;
	s9 =	sshll.u32 s11, $0x4  }
0x14: {  	s11 =	sadd.s32 $0x2800, s31;
	s9 =	sadd.s32 s10, s9;
	s10 =	sadd.s32 $0x9C00, s10  }
.LBB2_1:
0x15: {  	[spmem:s14], [sflag:s6] =	dma.local [hbm:s5], $0x2800  }
0x16: {  	_ =	swait.ge [sflag:s15], $0x2800  }
0x17: {  	[sflag:s15] =	ssyncset.done $0x0  }
0x18: {  	[sflag:s15] =	ssyncadd.s32 $0xFFFFD800  }
0x19: {  	[tilespmem:s3], [sflag:$0x1] =	stream.linear.gather [hbm4b:s9+s3], $0x2800, $0x38;
	[tilespmem:$0x1AA00] =	vst v63  }
0x1a: {  	_ =	swait.ge [sflag:s15], $0x2800  }
0x1b: {  	[sflag:s15] =	ssyncset.done $0x0  }
0x1c: {  	[sflag:s15] =	ssyncadd.s32 $0xFFFFD800  }
0x1d: {  	[tilespmem:s16], [sflag:$0x1] =	stream.linear.gather [hbm4b:s10+s3], $0x200, $0x38;
	[tilespmem:$0x1AA00] =	vst v63  }
0x1e: {  	_ =	swait.ge [sflag:s15], $0x200  }
0x1f: {  	[sflag:s15] =	ssyncset.done $0x0  }
0x20: {  	[sflag:s15] =	ssyncadd.s32 $0xFFFFFE00  }
0x21: {  	[tilespmem:s17], [sflag:$0x1] =	stream.linear.gather [hbm4b:s4+s3], $0x4000, $0x38;
	[tilespmem:$0x1AA00] =	vst v63  }
0x22: {  	_ =	swait.ge [sflag:s15], $0x4000  }
0x23: {  	p1 =	sne.s32 s7, $0x1;
	[sflag:s15] =	ssyncset.done $0x0  }
.Ltmp0:
0x24: {  	[sflag:s15] =	ssyncadd.s32 $0xFFFFC000;
	(pc) =	sbr.rel @!p1 .LBB2_3-.Ltmp0, $4  }
0x25: {  	[bflag:$0x0] =	sbarrier.arrive $0xFFFF  }
0x26: {  	[spmem:s2] =	stream.indirect.scatter.add.f32 [tilespmem:s17], [sflag:$0x1], $0x80, s8, s18, $0xb8;
	[tilespmem:$0x1AA00] =	vst v63  }
0x27: {  	_ =	swait.ge [sflag:s15], $0x4000  }
0x28: {  	s20 =	sadd.s32 $0xFFFFFFFF, s7;
	s21 =	smov.u32 s8;
	[sflag:s15] =	ssyncset.done $0x0  }
.LBB2_2:
0x29: {  	p1 =	sne.s32 s20, $0x1;
	[sflag:s15] =	ssyncadd.s32 $0xFFFFC000;
	s21 =	sadd.s32 $0x80, s21  }
.Ltmp1:
0x2a: {  	s20 =	sadd.s32 $0xFFFFFFFF, s20;
	(pc) =	sbr.rel @p1 .LBB2_2-.Ltmp1, $4  }
0x2b: {  	_ = 	snop  }
0x2c: {  	[spmem:s2] =	stream.indirect.scatter.add.f32 [tilespmem:s17], [sflag:$0x1], $0x80, s21, s18, $0xb8;
	[tilespmem:$0x1AA00] =	vst v63  }
0x2d: {  	_ =	swait.ge [sflag:s15], $0x4000  }
0x2e: {  	[sflag:s15] =	ssyncset.done $0x0  }
.LBB2_3:
0x2f: {  	[sflag:s15] =	ssyncadd.s32 $0xFFFFC000;
	s20 =	simm.s32 @!p0 $0x80;
	s21 =	simm.s32 @!p0 $0x2A00  }
0x30: {  	[spmem:s2] =	stream.indirect.scatter.add.f32 @!p0 [tilespmem:s21], [sflag:$0x1], $0x80, s11, s20, $0xb8;
	[tilespmem:$0x1AA00] =	vst v63  }
0x31: {  	s20 =	simm.s32 @!p0 $0x1  }
0x32: {  	_ =	swait.ge @!p0 [sflag:s20], $0x4000  }
0x33: {  	s19 =	sadd.s32 $0x1, s19;
	[sflag:s20] =	ssyncset.done @!p0 $0x0  }
0x34: {  	p1 =	sne.s32 s19, s13;
	[sflag:s20] =	ssyncadd.s32 @!p0 $0xFFFFC000  }
.Ltmp2:
0x35: {  	[bflag:$0x0] =	sbarrier.arrive $0xFFFF;
	(pc) =	sbr.rel @p1 .LBB2_1-.Ltmp2, $4  }
0x36: {  	[hbm:s12], [sflag:s6] =	dma.local [spmem:s14], $0x2800  }
0x37: {  	_ =	swait.ge [sflag:s15], $0x2800  }
0x38: {  	[sflag:s15] =	ssyncset.done $0x0  }
0x39: {  	[sflag:s15] =	ssyncadd.s32 $0xFFFFD800  }
0x3a: {  	_ =	sfence.sel $0x180000  }
0x3b: {  	[bflag:$0x0] =	sbarrier.arrive $0xFFFF  }
0x3c: {  	p0 =	sne.s32 s1, $0x0;
	_ =	strace $0x90000047  }
0x3d: {  	s0 =	sadd.s32 @!p0 $0x100000, s0;
	[bflag:$0x2] =	sbarrier.arrive $0xFFFF  }
0x3e: {  	[sflag:s0] =	ssyncadd.tile.s32 @!p0 $0x1;
	_ =	shalt  }
.Lfunc_end2:
_tile_overlayer_lowered:
.L_overlay_start_2:
0x3f: {  	(tag) =	ssettag $0x2  }
0x40: {  	s0 =	rddreg [dreg:$0x0];
	s2 =	stileid.u32  }
0x41: {  	s1 =	rddreg [dreg:$0x1];
	p0 =	sne.s32 s2, $0x0  }
0x42: {  	s3 =	rddreg [dreg:$0x2];
	[bflag:$0x3] =	sbarrier.arrive $0xFFFF;
	s2 =	simm.s32 @!p0 $0x1C01  }
0x43: {  	[timem:s3], [sflag:s2] =	dma.local @!p0 [hbm:s0], s1  }
0x44: {  	s0 =	simm.s32 @!p0 $0x1  }
0x45: {  	_ =	swait.ge @!p0 [sflag:s0], s1  }
0x46: {  	s1 =	ssub.s32 @!p0 $0x0, s1;
	[sflag:s0] =	ssyncset.done @!p0 $0x0  }
0x47: {  	[sflag:s0] =	ssyncadd.s32 @!p0 s1  }
0x48: {  	[bflag:$0x3] =	sbarrier.arrive $0xFFFF  }
0x49: {  	_ =	shalt  }

</sc_bundles>
